<compile_context>
chip_gen: v7x
topology: tpu7x:2x2x1
jax: 0.10.2.dev20260603
libtpu: 0.0.44.dev20260713+nightly
codegen_flags: <defaults>
</compile_context>

<pallas_src>
import functools
import numpy as np
import jax
import jax.numpy as jnp
from jax import lax
from jax.experimental import pallas as pl
from jax.experimental.pallas import tpu as pltpu
from jax.experimental.pallas import tpu_sc as plsc

DIM = 256
HEADS = 8
HD = DIM // HEADS
WIN = 8
E = 8
SCALE = HD ** -0.5
RHID = 128
BLK = 512
T_TOK = 8192
NBLK = T_TOK // BLK
TILE = 512
NT = T_TOK // TILE + E - 1
NSLOT = NT * TILE
NC_SC = 2
NS_SC = 16
NW_SC = NC_SC * NS_SC
PER_W = T_TOK // NW_SC


def _rope_tables():
    d = HD // 2
    half = d // 2
    inv = 1.0 / (10000.0 ** (np.arange(half, dtype=np.float64) / half))
    hpos = np.repeat(np.arange(WIN), WIN).astype(np.float64)
    wpos = np.tile(np.arange(WIN), WIN).astype(np.float64)
    ah = hpos[:, None] * inv[None, :]
    aw = wpos[:, None] * inv[None, :]
    cos = np.concatenate([np.cos(ah), np.cos(ah), np.cos(aw), np.cos(aw)], axis=-1)
    sin = np.concatenate([np.sin(ah), np.sin(ah), np.sin(aw), np.sin(aw)], axis=-1)
    t = np.arange(BLK)
    p = (t // 64) * WIN + (t % WIN)
    cos_b = np.tile(cos[p], (1, 2 * HEADS)).astype(np.float32)
    sin_b = np.tile(sin[p], (1, 2 * HEADS)).astype(np.float32)
    return cos_b, sin_b


_COS_B, _SIN_B = _rope_tables()
_TRIL = np.tril(np.ones((BLK, BLK), np.float32), -1)
_TRIU = np.triu(np.ones((E, E), np.float32), 1)
_GRP = 512
_AMASK = np.where(
    (np.arange(_GRP)[:, None] // 64) == (np.arange(_GRP)[None, :] // 64),
    0.0, -1e30).astype(np.float32)


def _rot_matrix():
    R = np.zeros((2 * DIM, 2 * DIM), np.float32)
    for g in range(2 * HEADS):
        b = g * HD
        for d in range(8):
            R[b + 8 + d, b + d] = -1.0
            R[b + d, b + 8 + d] = 1.0
            R[b + 24 + d, b + 16 + d] = -1.0
            R[b + 16 + d, b + 24 + d] = 1.0
    return R


_ROT = _rot_matrix()


def _rot_half_qk(x):
    pieces = []
    for g in range(2 * HEADS):
        b = g * HD
        pieces += [-x[:, b + 8:b + 16], x[:, b:b + 8],
                   -x[:, b + 24:b + 32], x[:, b + 16:b + 24]]
    return jnp.concatenate(pieces, axis=1)



def _rd_body(x_ref, wr1_ref, br1_ref, wr2_ref, br2_ref, tril_ref, triu_ref,
             ohp_ref, dst_ref, te_ref, ohs_s, tot_s, base_s):
    i = pl.program_id(0)

    @pl.when(i == 0)
    def _init0():
        tot_s[...] = jnp.zeros((1, E), jnp.float32)

    @pl.when(i < NBLK)
    def _phase_router():
        x = x_ref[...]
        hid = jnp.maximum(
            jnp.dot(x, wr1_ref[...], preferred_element_type=jnp.float32)
            + br1_ref[...], 0.0)
        logits = (jnp.dot(hid, wr2_ref[...], preferred_element_type=jnp.float32)
                  + br2_ref[...])
        mx = jnp.max(logits, axis=-1, keepdims=True)
        ex = jnp.exp(logits - mx)
        probs = ex / jnp.sum(ex, axis=-1, keepdims=True)
        pmax = jnp.max(probs, axis=-1, keepdims=True)
        masks = []
        found = jnp.zeros((BLK, 1), jnp.float32)
        for e in range(E):
            col = probs[:, e:e + 1]
            is_max = jnp.where(col >= pmax, 1.0, 0.0) * (1.0 - found)
            masks.append(is_max)
            found = found + is_max
        oh = jnp.concatenate(masks, axis=1)
        ohp = oh * pmax
        ohp_ref[...] = ohp
        ohs_s[i] = ohp
        tot_s[...] = tot_s[...] + jnp.sum(oh, axis=0, keepdims=True)

    @pl.when(i == NBLK)
    def _init1():
        base_s[...] = jnp.zeros((1, E), jnp.float32)

    @pl.when(i >= NBLK)
    def _phase_dispatch():
        blk = i - NBLK
        tot_i = tot_s[...].astype(jnp.int32)
        tiles = jnp.right_shift(tot_i + (TILE - 1), 9)
        pad_off = jnp.dot(tiles.astype(jnp.float32), triu_ref[...],
                          preferred_element_type=jnp.float32) * TILE

        oh = jnp.where(ohs_s[blk] > 0.0, 1.0, 0.0)
        prefix = jnp.dot(tril_ref[...], oh,
                         preferred_element_type=jnp.float32)
        offs = pad_off + base_s[...]
        dstf = jnp.sum(oh * (prefix + offs), axis=1, keepdims=True)
        dst_ref[...] = jnp.broadcast_to(dstf.astype(jnp.int32), (BLK, E))
        base_s[...] = base_s[...] + jnp.sum(oh, axis=0, keepdims=True)

        trow = lax.broadcasted_iota(jnp.int32, (32, E), 0) * TILE
        cnt = jnp.sum(jnp.where(trow >= pad_off.astype(jnp.int32), 1, 0),
                      axis=1, keepdims=True) - 1
        te_ref[...] = jnp.broadcast_to(cnt, (32, E))


def _route_dispatch(xf, Wr1, br1, Wr2, br2):
    return pl.pallas_call(
        _rd_body,
        grid=(2 * NBLK,),
        in_specs=[
            pl.BlockSpec((BLK, DIM), lambda i: (jnp.minimum(i, NBLK - 1), 0)),
            pl.BlockSpec((DIM, RHID), lambda i: (0, 0)),
            pl.BlockSpec((1, RHID), lambda i: (0, 0)),
            pl.BlockSpec((RHID, E), lambda i: (0, 0)),
            pl.BlockSpec((1, E), lambda i: (0, 0)),
            pl.BlockSpec((BLK, BLK), lambda i: (0, 0)),
            pl.BlockSpec((E, E), lambda i: (0, 0)),
        ],
        out_specs=[
            pl.BlockSpec((BLK, E), lambda i: (jnp.minimum(i, NBLK - 1), 0)),
            pl.BlockSpec((BLK, E), lambda i: (jnp.maximum(i - NBLK, 0), 0)),
            pl.BlockSpec((32, E), lambda i: (0, 0)),
        ],
        out_shape=[
            jax.ShapeDtypeStruct((T_TOK, E), jnp.float32),
            jax.ShapeDtypeStruct((T_TOK, E), jnp.int32),
            jax.ShapeDtypeStruct((32, E), jnp.int32),
        ],
        scratch_shapes=[
            pltpu.VMEM((NBLK, BLK, E), jnp.float32),
            pltpu.VMEM((1, E), jnp.float32),
            pltpu.VMEM((1, E), jnp.float32),
        ],
    )(xf, Wr1, br1.reshape(1, RHID), Wr2, br2.reshape(1, E),
      jnp.asarray(_TRIL), jnp.asarray(_TRIU))



def _sc_permute(direction, width, chunk):
    mesh = plsc.VectorSubcoreMesh(core_axis_name="c", subcore_axis_name="s")
    nrows_out = NSLOT if direction == "scatter" else T_TOK
    nch = PER_W // chunk

    @functools.partial(
        pl.kernel, mesh=mesh,
        out_type=jax.ShapeDtypeStruct((nrows_out, width), jnp.float32),
        scratch_types=[
            pltpu.VMEM((chunk,), jnp.int32),
            pltpu.VMEM((chunk, width), jnp.float32),
            pltpu.SemaphoreType.DMA,
        ])
    def k(src_hbm, dst_hbm, out_hbm, idx_v, buf_v, sem):
        wid = lax.axis_index("s") * NC_SC + lax.axis_index("c")
        base = wid * PER_W
        for ch in range(nch):
            b = base + ch * chunk
            pltpu.sync_copy(dst_hbm.at[pl.ds(b, chunk)], idx_v)
            if direction == "scatter":
                pltpu.sync_copy(src_hbm.at[pl.ds(b, chunk)], buf_v)
                pltpu.async_copy(buf_v, out_hbm.at[idx_v], sem).wait()
            else:
                pltpu.async_copy(src_hbm.at[idx_v], buf_v, sem).wait()
                pltpu.sync_copy(buf_v, out_hbm.at[pl.ds(b, chunk)])

    return k


def _sc_scatter_rows(src, dst1, width, chunk):
    return _sc_permute("scatter", width, chunk)(src, dst1)


def _sc_gather_rows(src, dst1, width, chunk):
    return _sc_permute("gather", width, chunk)(src, dst1)



def _grouped_matmul(xs, te, W, b):
    width = W.shape[-1]

    def body(te_ref, xs_ref, w_ref, b_ref, o_ref):
        o_ref[...] = (jnp.dot(xs_ref[...].astype(jnp.bfloat16), w_ref[0],
                              preferred_element_type=jnp.float32)
                      + b_ref[0])

    grid_spec = pltpu.PrefetchScalarGridSpec(
        num_scalar_prefetch=1,
        grid=(NT,),
        in_specs=[
            pl.BlockSpec((TILE, DIM), lambda t, te: (t, 0)),
            pl.BlockSpec((1, DIM, width), lambda t, te: (te[t], 0, 0)),
            pl.BlockSpec((1, 1, width), lambda t, te: (te[t], 0, 0)),
        ],
        out_specs=pl.BlockSpec((TILE, width), lambda t, te: (t, 0)),
    )
    return pl.pallas_call(
        body, grid_spec=grid_spec,
        out_shape=jax.ShapeDtypeStruct((NSLOT, width), jnp.float32),
    )(te, xs, W, b.reshape(E, 1, width))



def _attn_body(qkv_ref, ohp_ref, cos_ref, sin_ref, mask_ref, rot_ref,
               wp_ref, bp_ref, out_ref, qkv_s, win2_s, att_s):
    qkv = qkv_ref[...]
    qk = qkv[:, :2 * DIM]
    qk = qk * cos_ref[...] + jnp.dot(
        qk, rot_ref[...], preferred_element_type=jnp.float32) * sin_ref[...]
    qkv_s[...] = jnp.concatenate([qk, qkv[:, 2 * DIM:]], axis=1
                                 ).reshape(WIN, 64, 3 * DIM)

    for w in range(WIN):
        win2_s[w] = qkv_s[:, w * WIN:(w + 1) * WIN, :].reshape(
            WIN * WIN, 3 * DIM)
    big = win2_s[...].reshape(BLK, 3 * DIM)
    mask = mask_ref[...]
    grps = []
    for g in range(BLK // _GRP):
        rows = slice(g * _GRP, (g + 1) * _GRP)
        outs = []
        for h in range(HEADS):
            qh = (big[rows, h * HD:(h + 1) * HD] * SCALE
                  ).astype(jnp.bfloat16)
            kh = big[rows, DIM + h * HD:DIM + (h + 1) * HD
                     ].astype(jnp.bfloat16)
            vh = big[rows, 2 * DIM + h * HD:2 * DIM + (h + 1) * HD
                     ].astype(jnp.bfloat16)
            s = lax.dot_general(qh, kh, (((1,), (1,)), ((), ())),
                                preferred_element_type=jnp.float32) + mask
            s = s - jnp.max(s, axis=-1, keepdims=True)
            p = jnp.exp(s)
            p = (p / jnp.sum(p, axis=-1, keepdims=True)).astype(jnp.bfloat16)
            outs.append(jnp.dot(p, vh, preferred_element_type=jnp.float32))
        grps.append(jnp.concatenate(outs, axis=1))
    big_out = jnp.concatenate(grps, axis=0)
    for w in range(WIN):
        att_s[:, w * WIN:(w + 1) * WIN, :] = big_out[
            w * WIN * WIN:(w + 1) * WIN * WIN, :].reshape(WIN, WIN, DIM)

    ohp = ohp_ref[...]
    pmax = jnp.sum(ohp, axis=1, keepdims=True)
    o = att_s[...].reshape(BLK, DIM).astype(jnp.bfloat16)
    bp = bp_ref[...]
    acc = jnp.zeros((BLK, DIM), jnp.float32)
    for e in range(E):
        emask = jnp.where(ohp[:, e:e + 1] > 0.0, 1.0, 0.0)
        acc = acc + emask * (
            jnp.dot(o, wp_ref[e], preferred_element_type=jnp.float32)
            + bp[e:e + 1, :])
    out_ref[...] = acc * pmax


def _attention(qkv, ohp, Wproj, bproj):
    return pl.pallas_call(
        _attn_body,
        grid=(NBLK,),
        in_specs=[
            pl.BlockSpec((BLK, 3 * DIM), lambda i: (i, 0)),
            pl.BlockSpec((BLK, E), lambda i: (i, 0)),
            pl.BlockSpec((BLK, 2 * DIM), lambda i: (0, 0)),
            pl.BlockSpec((BLK, 2 * DIM), lambda i: (0, 0)),
            pl.BlockSpec((_GRP, _GRP), lambda i: (0, 0)),
            pl.BlockSpec((2 * DIM, 2 * DIM), lambda i: (0, 0)),
            pl.BlockSpec((E, DIM, DIM), lambda i: (0, 0, 0)),
            pl.BlockSpec((E, DIM), lambda i: (0, 0)),
        ],
        out_specs=pl.BlockSpec((BLK, DIM), lambda i: (i, 0)),
        out_shape=jax.ShapeDtypeStruct((T_TOK, DIM), jnp.float32),
        scratch_shapes=[
            pltpu.VMEM((WIN, 64, 3 * DIM), jnp.float32),
            pltpu.VMEM((WIN, WIN * WIN, 3 * DIM), jnp.float32),
            pltpu.VMEM((WIN, 64, DIM), jnp.float32),
        ],
    )(qkv, ohp, jnp.asarray(_COS_B), jnp.asarray(_SIN_B),
      jnp.asarray(_AMASK), jnp.asarray(_ROT), Wproj, bproj)


@jax.jit
def kernel(x, Wqkv, bqkv, Wproj, bproj, Wr1, br1, Wr2, br2):
    Bs, H, W, C = x.shape
    xf = x.reshape(-1, C)
    ohp, dstrep, te_out = _route_dispatch(xf, Wr1, br1, Wr2, br2)
    te = te_out[:NT, 0]
    dst1 = dstrep[:, 0]
    xs = _sc_scatter_rows(xf, dst1, DIM, 128)
    qkv_s = _grouped_matmul(xs, te, Wqkv.astype(jnp.bfloat16), bqkv)
    qkv = _sc_gather_rows(qkv_s, dst1, 3 * DIM, 64)
    final = _attention(qkv, ohp, Wproj.astype(jnp.bfloat16), bproj)
    return final.reshape(Bs, H, W, C)

# --- scband reference (transcript-rebuilt; emitter-appended) ---
"""Pipeline reference for scband-sd-attn-withmoe-16131897164215 (READ-ONLY COPY).

The authoritative reference and input builder live on the scoring server;
editing this copy changes nothing except your own understanding.
"""

import jax, jax.numpy as jnp
import numpy as np

DIM = 256
HEADS = 8
HD = DIM // HEADS
WIN = 8
E = 8
SCALE = HD ** -0.5
RHID = 128


def _make_rope2(Wh, Ww, hd):
    d = hd // 2
    half = d // 2
    inv = 1.0 / (10000.0 ** (np.arange(half, dtype=np.float64) / half))
    hpos = np.repeat(np.arange(Wh), Ww).astype(np.float64)
    wpos = np.tile(np.arange(Ww), Wh).astype(np.float64)
    ah = hpos[:, None] * inv[None, :]
    aw = wpos[:, None] * inv[None, :]
    cos = np.concatenate([np.cos(ah), np.cos(ah), np.cos(aw), np.cos(aw)], axis=-1).astype(np.float32)
    sin = np.concatenate([np.sin(ah), np.sin(ah), np.sin(aw), np.sin(aw)], axis=-1).astype(np.float32)
    return jnp.asarray(cos), jnp.asarray(sin)

_COS, _SIN = _make_rope2(WIN, WIN, HD)


def _rot_half(x):
    d = HD // 2
    half = d // 2
    x1 = x[..., :half]
    x2 = x[..., half:d]
    x3 = x[..., d:d + half]
    x4 = x[..., d + half:]
    return jnp.concatenate([-x2, x1, -x4, x3], axis=-1)


def _rope(x):
    return x * _COS + _rot_half(x) * _SIN


def _win_part(x, Wh, Ww):
    B, H, W, C = x.shape
    x = x.reshape(B, H // Wh, Wh, W // Ww, Ww, C)
    return jnp.transpose(x, (0, 1, 3, 2, 4, 5)).reshape(-1, Wh * Ww, C)


def _win_rev(w, Wh, Ww, B, H, W):
    C = w.shape[-1]
    x = w.reshape(B, H // Wh, W // Ww, Wh, Ww, C)
    return jnp.transpose(x, (0, 1, 3, 2, 4, 5)).reshape(B, H, W, C)


def _forward(x, Wqkv, bqkv, Wproj, bproj, Wr1, br1, Wr2, br2):
    Bs, H, W, C = x.shape
    xf = x.reshape(-1, C)
    # Top1Router (eval mode: no jitter noise)
    hdn = jax.nn.relu(xf @ Wr1 + br1)
    logits = hdn @ Wr2 + br2
    probs = jax.nn.softmax(logits, axis=-1)
    route_prob_max = jnp.max(probs, axis=-1)
    routes = jnp.argmax(probs, axis=-1)
    onehot = jax.nn.one_hot(routes, E, dtype=xf.dtype)
    # MoE qkv: equivalent to gather/scatter expert dispatch (eval: no token drop)
    qkv = jnp.zeros((xf.shape[0], 3 * C), dtype=xf.dtype)
    for e in range(E):
        qkv = qkv + onehot[:, e:e + 1] * (xf @ Wqkv[e] + bqkv[e])
    # shift_size = 0, dilated_size = [1,1] -> plain window partition
    qkvw = _win_part(qkv.reshape(Bs, H, W, 3 * C), WIN, WIN)
    B_, N, _ = qkvw.shape
    qkvw = jnp.transpose(qkvw.reshape(B_, N, 3, HEADS, HD), (2, 0, 3, 1, 4))
    q = _rope(qkvw[0])
    k = _rope(qkvw[1])
    v = qkvw[2]
    attn = (q * SCALE) @ jnp.transpose(k, (0, 1, 3, 2))
    # moe_mask is all zeros in eval (no dropped tokens); attn mask None (no shift)
    attn = jax.nn.softmax(attn, axis=-1)
    out = jnp.transpose(attn @ v, (0, 2, 1, 3)).reshape(B_, N, C)
    out = _win_rev(out, WIN, WIN, Bs, H, W).reshape(-1, C)
    # MoE output projection
    proj = jnp.zeros_like(out)
    for e in range(E):
        proj = proj + onehot[:, e:e + 1] * (out @ Wproj[e] + bproj[e])
    # is_scale_prob=True: scale output by top-1 routing probability
    proj = proj * route_prob_max[:, None]
    return proj.reshape(Bs, H, W, C)


def setup_inputs(seed: int = 0) -> dict:
    key = jax.random.key(seed)
    ks = jax.random.split(key, 10)
    x = jax.random.normal(ks[0], (2, 64, 64, DIM), dtype=jnp.float32)
    Wqkv = jax.random.normal(ks[1], (E, DIM, 3 * DIM), dtype=jnp.float32) * 0.02
    bqkv = jnp.zeros((E, 3 * DIM), dtype=jnp.float32)
    Wproj = jax.random.normal(ks[2], (E, DIM, DIM), dtype=jnp.float32) * 0.02
    bproj = jnp.zeros((E, DIM), dtype=jnp.float32)
    Wr1 = jax.random.normal(ks[3], (DIM, RHID), dtype=jnp.float32) * 0.02
    br1 = jnp.zeros((RHID,), dtype=jnp.float32)
    Wr2 = jax.random.normal(ks[4], (RHID, E), dtype=jnp.float32) * 0.02
    br2 = jnp.zeros((E,), dtype=jnp.float32)
    return {"x": x, "Wqkv": Wqkv, "bqkv": bqkv, "Wproj": Wproj, "bproj": bproj, "Wr1": Wr1, "br1": br1, "Wr2": Wr2, "br2": br2}


def reference(x, Wqkv, bqkv, Wproj, bproj, Wr1, br1, Wr2, br2):
    return _forward(x, Wqkv, bqkv, Wproj, bproj, Wr1, br1, Wr2, br2)

if __name__ == "__main__":
    import jax
    _d = setup_inputs()
    print(jax.jit(kernel)(*tuple(_d.values())))

</pallas_src>

<mosaic_0001>
#map = affine_map<(d0, d1) -> (0, 0)>
#map1 = affine_map<(d0, d1) -> (0)>
module attributes {stable_mosaic.version = 14 : i64} {
  func.func @k(%arg0: i32, %arg1: i32, %arg2: memref<11776x768xf32, #tpu.memory_space<hbm>>, %arg3: memref<8192xi32, #tpu.memory_space<hbm>>, %arg4: memref<8192x768xf32, #tpu.memory_space<hbm>>, %arg5: memref<64xi32, #tpu.memory_space<vmem>>, %arg6: memref<64x768xf32, #tpu.memory_space<vmem>>, %arg7: memref<!tpu.dma_semaphore, #tpu.memory_space<semaphore_mem>>) attributes {dimension_semantics = [#tpu.dimension_semantics<core_parallel>, #tpu.dimension_semantics<subcore_parallel>], iteration_bounds = array<i64: 2, 16>, scalar_prefetch = 0 : i64, scratch_operands = 3 : i64, tpu.core_type = #tpu.core_type<sc_vector_subcore>, window_params = [{transform_indices = #map}, {transform_indices = #map1}, {transform_indices = #map}]} {
    %mul3A = arith.constant 2 : i32
    %mul3A_0 = arith.muli %arg1, %mul3A : i32
    %add3A = arith.addi %mul3A_0, %arg0 : i32
    %mul3A_1 = arith.constant 256 : i32
    %mul3A_2 = arith.muli %add3A, %mul3A_1 : i32
    %add3A_3 = arith.constant 0 : i32
    %add3A_4 = arith.addi %mul3A_2, %add3A_3 : i32
    "tpu.region"() ({
      %run_scoped3A = tpu.sem_alloc : memref<!tpu.dma_semaphore, #tpu.memory_space<semaphore_mem>>
      %dma_start3A_33 = tpu.memref_slice %arg3[%add3A_4] : memref<8192xi32, #tpu.memory_space<hbm>> -> memref<64xi32, #tpu.memory_space<hbm>>
      %dma_start3A_34 = tpu.memref_slice %arg3[%add3A_4] : memref<8192xi32, #tpu.memory_space<hbm>> -> memref<64xi32, #tpu.memory_space<hbm>>
      tpu.enqueue_dma source(%dma_start3A_34 : memref<64xi32, #tpu.memory_space<hbm>>) target(%arg5 : memref<64xi32, #tpu.memory_space<vmem>>) target_semaphore(%run_scoped3A : memref<!tpu.dma_semaphore, #tpu.memory_space<semaphore_mem>>)
      %dma_wait3A_35 = tpu.memref_slice %arg3[%add3A_4] : memref<8192xi32, #tpu.memory_space<hbm>> -> memref<64xi32, #tpu.memory_space<hbm>>
      %dma_wait3A_36 = tpu.memref_slice %arg3[%add3A_4] : memref<8192xi32, #tpu.memory_space<hbm>> -> memref<64xi32, #tpu.memory_space<hbm>>
      tpu.wait_dma2 semaphore(%run_scoped3A : memref<!tpu.dma_semaphore, #tpu.memory_space<semaphore_mem>>) src(%dma_wait3A_36 : memref<64xi32, #tpu.memory_space<hbm>>) dst(%arg5 : memref<64xi32, #tpu.memory_space<vmem>>)
      tpu.yield
    }) : () -> ()
    %dma_start3A = arith.constant 0 : i32
    %dma_start3A_5 = arith.constant 0 : i32
    %dma_start3A_6 = tpu.memref_slice %arg2[%dma_start3A, %dma_start3A_5] : memref<11776x768xf32, #tpu.memory_space<hbm>> -> memref<11776x768xf32, #tpu.memory_space<hbm>>
    tpu.enqueue_indirect_dma source(%dma_start3A_6 : memref<11776x768xf32, #tpu.memory_space<hbm>>) target(%arg6 : memref<64x768xf32, #tpu.memory_space<vmem>>) offsets(%arg5 : memref<64xi32, #tpu.memory_space<vmem>>) semaphore(%arg7 : memref<!tpu.dma_semaphore, #tpu.memory_space<semaphore_mem>>)
    %dma_wait3A = arith.constant 0 : i32
    %dma_wait3A_7 = arith.constant 0 : i32
    %dma_wait3A_8 = tpu.memref_slice %arg2[%dma_wait3A, %dma_wait3A_7] : memref<11776x768xf32, #tpu.memory_space<hbm>> -> memref<11776x768xf32, #tpu.memory_space<hbm>>
    tpu.wait_indirect_dma semaphore(%arg7 : memref<!tpu.dma_semaphore, #tpu.memory_space<semaphore_mem>>) src(%dma_wait3A_8 : memref<11776x768xf32, #tpu.memory_space<hbm>>) dst(%arg6 : memref<64x768xf32, #tpu.memory_space<vmem>>)
    "tpu.region"() ({
      %run_scoped3A = tpu.sem_alloc : memref<!tpu.dma_semaphore, #tpu.memory_space<semaphore_mem>>
      %dma_start3A_33 = arith.constant 0 : i32
      %dma_start3A_34 = tpu.memref_slice %arg4[%add3A_4, %dma_start3A_33] : memref<8192x768xf32, #tpu.memory_space<hbm>> -> memref<64x768xf32, #tpu.memory_space<hbm>>
      %dma_start3A_35 = arith.constant 0 : i32
      %dma_start3A_36 = tpu.memref_slice %arg4[%add3A_4, %dma_start3A_35] : memref<8192x768xf32, #tpu.memory_space<hbm>> -> memref<64x768xf32, #tpu.memory_space<hbm>>
      tpu.enqueue_dma source(%arg6 : memref<64x768xf32, #tpu.memory_space<vmem>>) target(%dma_start3A_36 : memref<64x768xf32, #tpu.memory_space<hbm>>) target_semaphore(%run_scoped3A : memref<!tpu.dma_semaphore, #tpu.memory_space<semaphore_mem>>)
      %dma_wait3A_37 = arith.constant 0 : i32
      %dma_wait3A_38 = tpu.memref_slice %arg4[%add3A_4, %dma_wait3A_37] : memref<8192x768xf32, #tpu.memory_space<hbm>> -> memref<64x768xf32, #tpu.memory_space<hbm>>
      %dma_wait3A_39 = arith.constant 0 : i32
      %dma_wait3A_40 = tpu.memref_slice %arg4[%add3A_4, %dma_wait3A_39] : memref<8192x768xf32, #tpu.memory_space<hbm>> -> memref<64x768xf32, #tpu.memory_space<hbm>>
      tpu.wait_dma2 semaphore(%run_scoped3A : memref<!tpu.dma_semaphore, #tpu.memory_space<semaphore_mem>>) src(%arg6 : memref<64x768xf32, #tpu.memory_space<vmem>>) dst(%dma_wait3A_40 : memref<64x768xf32, #tpu.memory_space<hbm>>)
      tpu.yield
    }) : () -> ()
    %add3A_9 = arith.constant 64 : i32
    %add3A_10 = arith.addi %mul3A_2, %add3A_9 : i32
    "tpu.region"() ({
      %run_scoped3A = tpu.sem_alloc : memref<!tpu.dma_semaphore, #tpu.memory_space<semaphore_mem>>
      %dma_start3A_33 = tpu.memref_slice %arg3[%add3A_10] : memref<8192xi32, #tpu.memory_space<hbm>> -> memref<64xi32, #tpu.memory_space<hbm>>
      %dma_start3A_34 = tpu.memref_slice %arg3[%add3A_10] : memref<8192xi32, #tpu.memory_space<hbm>> -> memref<64xi32, #tpu.memory_space<hbm>>
      tpu.enqueue_dma source(%dma_start3A_34 : memref<64xi32, #tpu.memory_space<hbm>>) target(%arg5 : memref<64xi32, #tpu.memory_space<vmem>>) target_semaphore(%run_scoped3A : memref<!tpu.dma_semaphore, #tpu.memory_space<semaphore_mem>>)
      %dma_wait3A_35 = tpu.memref_slice %arg3[%add3A_10] : memref<8192xi32, #tpu.memory_space<hbm>> -> memref<64xi32, #tpu.memory_space<hbm>>
      %dma_wait3A_36 = tpu.memref_slice %arg3[%add3A_10] : memref<8192xi32, #tpu.memory_space<hbm>> -> memref<64xi32, #tpu.memory_space<hbm>>
      tpu.wait_dma2 semaphore(%run_scoped3A : memref<!tpu.dma_semaphore, #tpu.memory_space<semaphore_mem>>) src(%dma_wait3A_36 : memref<64xi32, #tpu.memory_space<hbm>>) dst(%arg5 : memref<64xi32, #tpu.memory_space<vmem>>)
      tpu.yield
    }) : () -> ()
    %dma_start3A_11 = arith.constant 0 : i32
    %dma_start3A_12 = arith.constant 0 : i32
    %dma_start3A_13 = tpu.memref_slice %arg2[%dma_start3A_11, %dma_start3A_12] : memref<11776x768xf32, #tpu.memory_space<hbm>> -> memref<11776x768xf32, #tpu.memory_space<hbm>>
    tpu.enqueue_indirect_dma source(%dma_start3A_13 : memref<11776x768xf32, #tpu.memory_space<hbm>>) target(%arg6 : memref<64x768xf32, #tpu.memory_space<vmem>>) offsets(%arg5 : memref<64xi32, #tpu.memory_space<vmem>>) semaphore(%arg7 : memref<!tpu.dma_semaphore, #tpu.memory_space<semaphore_mem>>)
    %dma_wait3A_14 = arith.constant 0 : i32
    %dma_wait3A_15 = arith.constant 0 : i32
    %dma_wait3A_16 = tpu.memref_slice %arg2[%dma_wait3A_14, %dma_wait3A_15] : memref<11776x768xf32, #tpu.memory_space<hbm>> -> memref<11776x768xf32, #tpu.memory_space<hbm>>
    tpu.wait_indirect_dma semaphore(%arg7 : memref<!tpu.dma_semaphore, #tpu.memory_space<semaphore_mem>>) src(%dma_wait3A_16 : memref<11776x768xf32, #tpu.memory_space<hbm>>) dst(%arg6 : memref<64x768xf32, #tpu.memory_space<vmem>>)
    "tpu.region"() ({
      %run_scoped3A = tpu.sem_alloc : memref<!tpu.dma_semaphore, #tpu.memory_space<semaphore_mem>>
      %dma_start3A_33 = arith.constant 0 : i32
      %dma_start3A_34 = tpu.memref_slice %arg4[%add3A_10, %dma_start3A_33] : memref<8192x768xf32, #tpu.memory_space<hbm>> -> memref<64x768xf32, #tpu.memory_space<hbm>>
      %dma_start3A_35 = arith.constant 0 : i32
      %dma_start3A_36 = tpu.memref_slice %arg4[%add3A_10, %dma_start3A_35] : memref<8192x768xf32, #tpu.memory_space<hbm>> -> memref<64x768xf32, #tpu.memory_space<hbm>>
      tpu.enqueue_dma source(%arg6 : memref<64x768xf32, #tpu.memory_space<vmem>>) target(%dma_start3A_36 : memref<64x768xf32, #tpu.memory_space<hbm>>) target_semaphore(%run_scoped3A : memref<!tpu.dma_semaphore, #tpu.memory_space<semaphore_mem>>)
      %dma_wait3A_37 = arith.constant 0 : i32
      %dma_wait3A_38 = tpu.memref_slice %arg4[%add3A_10, %dma_wait3A_37] : memref<8192x768xf32, #tpu.memory_space<hbm>> -> memref<64x768xf32, #tpu.memory_space<hbm>>
      %dma_wait3A_39 = arith.constant 0 : i32
      %dma_wait3A_40 = tpu.memref_slice %arg4[%add3A_10, %dma_wait3A_39] : memref<8192x768xf32, #tpu.memory_space<hbm>> -> memref<64x768xf32, #tpu.memory_space<hbm>>
      tpu.wait_dma2 semaphore(%run_scoped3A : memref<!tpu.dma_semaphore, #tpu.memory_space<semaphore_mem>>) src(%arg6 : memref<64x768xf32, #tpu.memory_space<vmem>>) dst(%dma_wait3A_40 : memref<64x768xf32, #tpu.memory_space<hbm>>)
      tpu.yield
    }) : () -> ()
    %add3A_17 = arith.constant 128 : i32
    %add3A_18 = arith.addi %mul3A_2, %add3A_17 : i32
    "tpu.region"() ({
      %run_scoped3A = tpu.sem_alloc : memref<!tpu.dma_semaphore, #tpu.memory_space<semaphore_mem>>
      %dma_start3A_33 = tpu.memref_slice %arg3[%add3A_18] : memref<8192xi32, #tpu.memory_space<hbm>> -> memref<64xi32, #tpu.memory_space<hbm>>
      %dma_start3A_34 = tpu.memref_slice %arg3[%add3A_18] : memref<8192xi32, #tpu.memory_space<hbm>> -> memref<64xi32, #tpu.memory_space<hbm>>
      tpu.enqueue_dma source(%dma_start3A_34 : memref<64xi32, #tpu.memory_space<hbm>>) target(%arg5 : memref<64xi32, #tpu.memory_space<vmem>>) target_semaphore(%run_scoped3A : memref<!tpu.dma_semaphore, #tpu.memory_space<semaphore_mem>>)
      %dma_wait3A_35 = tpu.memref_slice %arg3[%add3A_18] : memref<8192xi32, #tpu.memory_space<hbm>> -> memref<64xi32, #tpu.memory_space<hbm>>
      %dma_wait3A_36 = tpu.memref_slice %arg3[%add3A_18] : memref<8192xi32, #tpu.memory_space<hbm>> -> memref<64xi32, #tpu.memory_space<hbm>>
      tpu.wait_dma2 semaphore(%run_scoped3A : memref<!tpu.dma_semaphore, #tpu.memory_space<semaphore_mem>>) src(%dma_wait3A_36 : memref<64xi32, #tpu.memory_space<hbm>>) dst(%arg5 : memref<64xi32, #tpu.memory_space<vmem>>)
      tpu.yield
    }) : () -> ()
    %dma_start3A_19 = arith.constant 0 : i32
    %dma_start3A_20 = arith.constant 0 : i32
    %dma_start3A_21 = tpu.memref_slice %arg2[%dma_start3A_19, %dma_start3A_20] : memref<11776x768xf32, #tpu.memory_space<hbm>> -> memref<11776x768xf32, #tpu.memory_space<hbm>>
    tpu.enqueue_indirect_dma source(%dma_start3A_21 : memref<11776x768xf32, #tpu.memory_space<hbm>>) target(%arg6 : memref<64x768xf32, #tpu.memory_space<vmem>>) offsets(%arg5 : memref<64xi32, #tpu.memory_space<vmem>>) semaphore(%arg7 : memref<!tpu.dma_semaphore, #tpu.memory_space<semaphore_mem>>)
    %dma_wait3A_22 = arith.constant 0 : i32
    %dma_wait3A_23 = arith.constant 0 : i32
    %dma_wait3A_24 = tpu.memref_slice %arg2[%dma_wait3A_22, %dma_wait3A_23] : memref<11776x768xf32, #tpu.memory_space<hbm>> -> memref<11776x768xf32, #tpu.memory_space<hbm>>
    tpu.wait_indirect_dma semaphore(%arg7 : memref<!tpu.dma_semaphore, #tpu.memory_space<semaphore_mem>>) src(%dma_wait3A_24 : memref<11776x768xf32, #tpu.memory_space<hbm>>) dst(%arg6 : memref<64x768xf32, #tpu.memory_space<vmem>>)
    "tpu.region"() ({
      %run_scoped3A = tpu.sem_alloc : memref<!tpu.dma_semaphore, #tpu.memory_space<semaphore_mem>>
      %dma_start3A_33 = arith.constant 0 : i32
      %dma_start3A_34 = tpu.memref_slice %arg4[%add3A_18, %dma_start3A_33] : memref<8192x768xf32, #tpu.memory_space<hbm>> -> memref<64x768xf32, #tpu.memory_space<hbm>>
      %dma_start3A_35 = arith.constant 0 : i32
      %dma_start3A_36 = tpu.memref_slice %arg4[%add3A_18, %dma_start3A_35] : memref<8192x768xf32, #tpu.memory_space<hbm>> -> memref<64x768xf32, #tpu.memory_space<hbm>>
      tpu.enqueue_dma source(%arg6 : memref<64x768xf32, #tpu.memory_space<vmem>>) target(%dma_start3A_36 : memref<64x768xf32, #tpu.memory_space<hbm>>) target_semaphore(%run_scoped3A : memref<!tpu.dma_semaphore, #tpu.memory_space<semaphore_mem>>)
      %dma_wait3A_37 = arith.constant 0 : i32
      %dma_wait3A_38 = tpu.memref_slice %arg4[%add3A_18, %dma_wait3A_37] : memref<8192x768xf32, #tpu.memory_space<hbm>> -> memref<64x768xf32, #tpu.memory_space<hbm>>
      %dma_wait3A_39 = arith.constant 0 : i32
      %dma_wait3A_40 = tpu.memref_slice %arg4[%add3A_18, %dma_wait3A_39] : memref<8192x768xf32, #tpu.memory_space<hbm>> -> memref<64x768xf32, #tpu.memory_space<hbm>>
      tpu.wait_dma2 semaphore(%run_scoped3A : memref<!tpu.dma_semaphore, #tpu.memory_space<semaphore_mem>>) src(%arg6 : memref<64x768xf32, #tpu.memory_space<vmem>>) dst(%dma_wait3A_40 : memref<64x768xf32, #tpu.memory_space<hbm>>)
      tpu.yield
    }) : () -> ()
    %add3A_25 = arith.constant 192 : i32
    %add3A_26 = arith.addi %mul3A_2, %add3A_25 : i32
    "tpu.region"() ({
      %run_scoped3A = tpu.sem_alloc : memref<!tpu.dma_semaphore, #tpu.memory_space<semaphore_mem>>
      %dma_start3A_33 = tpu.memref_slice %arg3[%add3A_26] : memref<8192xi32, #tpu.memory_space<hbm>> -> memref<64xi32, #tpu.memory_space<hbm>>
      %dma_start3A_34 = tpu.memref_slice %arg3[%add3A_26] : memref<8192xi32, #tpu.memory_space<hbm>> -> memref<64xi32, #tpu.memory_space<hbm>>
      tpu.enqueue_dma source(%dma_start3A_34 : memref<64xi32, #tpu.memory_space<hbm>>) target(%arg5 : memref<64xi32, #tpu.memory_space<vmem>>) target_semaphore(%run_scoped3A : memref<!tpu.dma_semaphore, #tpu.memory_space<semaphore_mem>>)
      %dma_wait3A_35 = tpu.memref_slice %arg3[%add3A_26] : memref<8192xi32, #tpu.memory_space<hbm>> -> memref<64xi32, #tpu.memory_space<hbm>>
      %dma_wait3A_36 = tpu.memref_slice %arg3[%add3A_26] : memref<8192xi32, #tpu.memory_space<hbm>> -> memref<64xi32, #tpu.memory_space<hbm>>
      tpu.wait_dma2 semaphore(%run_scoped3A : memref<!tpu.dma_semaphore, #tpu.memory_space<semaphore_mem>>) src(%dma_wait3A_36 : memref<64xi32, #tpu.memory_space<hbm>>) dst(%arg5 : memref<64xi32, #tpu.memory_space<vmem>>)
      tpu.yield
    }) : () -> ()
    %dma_start3A_27 = arith.constant 0 : i32
    %dma_start3A_28 = arith.constant 0 : i32
    %dma_start3A_29 = tpu.memref_slice %arg2[%dma_start3A_27, %dma_start3A_28] : memref<11776x768xf32, #tpu.memory_space<hbm>> -> memref<11776x768xf32, #tpu.memory_space<hbm>>
    tpu.enqueue_indirect_dma source(%dma_start3A_29 : memref<11776x768xf32, #tpu.memory_space<hbm>>) target(%arg6 : memref<64x768xf32, #tpu.memory_space<vmem>>) offsets(%arg5 : memref<64xi32, #tpu.memory_space<vmem>>) semaphore(%arg7 : memref<!tpu.dma_semaphore, #tpu.memory_space<semaphore_mem>>)
    %dma_wait3A_30 = arith.constant 0 : i32
    %dma_wait3A_31 = arith.constant 0 : i32
    %dma_wait3A_32 = tpu.memref_slice %arg2[%dma_wait3A_30, %dma_wait3A_31] : memref<11776x768xf32, #tpu.memory_space<hbm>> -> memref<11776x768xf32, #tpu.memory_space<hbm>>
    tpu.wait_indirect_dma semaphore(%arg7 : memref<!tpu.dma_semaphore, #tpu.memory_space<semaphore_mem>>) src(%dma_wait3A_32 : memref<11776x768xf32, #tpu.memory_space<hbm>>) dst(%arg6 : memref<64x768xf32, #tpu.memory_space<vmem>>)
    "tpu.region"() ({
      %run_scoped3A = tpu.sem_alloc : memref<!tpu.dma_semaphore, #tpu.memory_space<semaphore_mem>>
      %dma_start3A_33 = arith.constant 0 : i32
      %dma_start3A_34 = tpu.memref_slice %arg4[%add3A_26, %dma_start3A_33] : memref<8192x768xf32, #tpu.memory_space<hbm>> -> memref<64x768xf32, #tpu.memory_space<hbm>>
      %dma_start3A_35 = arith.constant 0 : i32
      %dma_start3A_36 = tpu.memref_slice %arg4[%add3A_26, %dma_start3A_35] : memref<8192x768xf32, #tpu.memory_space<hbm>> -> memref<64x768xf32, #tpu.memory_space<hbm>>
      tpu.enqueue_dma source(%arg6 : memref<64x768xf32, #tpu.memory_space<vmem>>) target(%dma_start3A_36 : memref<64x768xf32, #tpu.memory_space<hbm>>) target_semaphore(%run_scoped3A : memref<!tpu.dma_semaphore, #tpu.memory_space<semaphore_mem>>)
      %dma_wait3A_37 = arith.constant 0 : i32
      %dma_wait3A_38 = tpu.memref_slice %arg4[%add3A_26, %dma_wait3A_37] : memref<8192x768xf32, #tpu.memory_space<hbm>> -> memref<64x768xf32, #tpu.memory_space<hbm>>
      %dma_wait3A_39 = arith.constant 0 : i32
      %dma_wait3A_40 = tpu.memref_slice %arg4[%add3A_26, %dma_wait3A_39] : memref<8192x768xf32, #tpu.memory_space<hbm>> -> memref<64x768xf32, #tpu.memory_space<hbm>>
      tpu.wait_dma2 semaphore(%run_scoped3A : memref<!tpu.dma_semaphore, #tpu.memory_space<semaphore_mem>>) src(%arg6 : memref<64x768xf32, #tpu.memory_space<vmem>>) dst(%dma_wait3A_40 : memref<64x768xf32, #tpu.memory_space<hbm>>)
      tpu.yield
    }) : () -> ()
    return
  }
}

#map = affine_map<(d0, d1) -> (0, 0)>
#map1 = affine_map<(d0, d1) -> (0)>
module attributes {stable_mosaic.version = 14 : i64} {
  func.func @k(%arg0: i32, %arg1: i32, %arg2: memref<8192x256xf32, #tpu.memory_space<hbm>>, %arg3: memref<8192xi32, #tpu.memory_space<hbm>>, %arg4: memref<11776x256xf32, #tpu.memory_space<hbm>>, %arg5: memref<128xi32, #tpu.memory_space<vmem>>, %arg6: memref<128x256xf32, #tpu.memory_space<vmem>>, %arg7: memref<!tpu.dma_semaphore, #tpu.memory_space<semaphore_mem>>) attributes {dimension_semantics = [#tpu.dimension_semantics<core_parallel>, #tpu.dimension_semantics<subcore_parallel>], iteration_bounds = array<i64: 2, 16>, scalar_prefetch = 0 : i64, scratch_operands = 3 : i64, tpu.core_type = #tpu.core_type<sc_vector_subcore>, window_params = [{transform_indices = #map}, {transform_indices = #map1}, {transform_indices = #map}]} {
    %mul3A = arith.constant 2 : i32
    %mul3A_0 = arith.muli %arg1, %mul3A : i32
    %add3A = arith.addi %mul3A_0, %arg0 : i32
    %mul3A_1 = arith.constant 256 : i32
    %mul3A_2 = arith.muli %add3A, %mul3A_1 : i32
    %add3A_3 = arith.constant 0 : i32
    %add3A_4 = arith.addi %mul3A_2, %add3A_3 : i32
    "tpu.region"() ({
      %run_scoped3A = tpu.sem_alloc : memref<!tpu.dma_semaphore, #tpu.memory_space<semaphore_mem>>
      %dma_start3A_17 = tpu.memref_slice %arg3[%add3A_4] : memref<8192xi32, #tpu.memory_space<hbm>> -> memref<128xi32, #tpu.memory_space<hbm>>
      %dma_start3A_18 = tpu.memref_slice %arg3[%add3A_4] : memref<8192xi32, #tpu.memory_space<hbm>> -> memref<128xi32, #tpu.memory_space<hbm>>
      tpu.enqueue_dma source(%dma_start3A_18 : memref<128xi32, #tpu.memory_space<hbm>>) target(%arg5 : memref<128xi32, #tpu.memory_space<vmem>>) target_semaphore(%run_scoped3A : memref<!tpu.dma_semaphore, #tpu.memory_space<semaphore_mem>>)
      %dma_wait3A_19 = tpu.memref_slice %arg3[%add3A_4] : memref<8192xi32, #tpu.memory_space<hbm>> -> memref<128xi32, #tpu.memory_space<hbm>>
      %dma_wait3A_20 = tpu.memref_slice %arg3[%add3A_4] : memref<8192xi32, #tpu.memory_space<hbm>> -> memref<128xi32, #tpu.memory_space<hbm>>
      tpu.wait_dma2 semaphore(%run_scoped3A : memref<!tpu.dma_semaphore, #tpu.memory_space<semaphore_mem>>) src(%dma_wait3A_20 : memref<128xi32, #tpu.memory_space<hbm>>) dst(%arg5 : memref<128xi32, #tpu.memory_space<vmem>>)
      tpu.yield
    }) : () -> ()
    "tpu.region"() ({
      %run_scoped3A = tpu.sem_alloc : memref<!tpu.dma_semaphore, #tpu.memory_space<semaphore_mem>>
      %dma_start3A_17 = arith.constant 0 : i32
      %dma_start3A_18 = tpu.memref_slice %arg2[%add3A_4, %dma_start3A_17] : memref<8192x256xf32, #tpu.memory_space<hbm>> -> memref<128x256xf32, #tpu.memory_space<hbm>>
      %dma_start3A_19 = arith.constant 0 : i32
      %dma_start3A_20 = tpu.memref_slice %arg2[%add3A_4, %dma_start3A_19] : memref<8192x256xf32, #tpu.memory_space<hbm>> -> memref<128x256xf32, #tpu.memory_space<hbm>>
      tpu.enqueue_dma source(%dma_start3A_20 : memref<128x256xf32, #tpu.memory_space<hbm>>) target(%arg6 : memref<128x256xf32, #tpu.memory_space<vmem>>) target_semaphore(%run_scoped3A : memref<!tpu.dma_semaphore, #tpu.memory_space<semaphore_mem>>)
      %dma_wait3A_21 = arith.constant 0 : i32
      %dma_wait3A_22 = tpu.memref_slice %arg2[%add3A_4, %dma_wait3A_21] : memref<8192x256xf32, #tpu.memory_space<hbm>> -> memref<128x256xf32, #tpu.memory_space<hbm>>
      %dma_wait3A_23 = arith.constant 0 : i32
      %dma_wait3A_24 = tpu.memref_slice %arg2[%add3A_4, %dma_wait3A_23] : memref<8192x256xf32, #tpu.memory_space<hbm>> -> memref<128x256xf32, #tpu.memory_space<hbm>>
      tpu.wait_dma2 semaphore(%run_scoped3A : memref<!tpu.dma_semaphore, #tpu.memory_space<semaphore_mem>>) src(%dma_wait3A_24 : memref<128x256xf32, #tpu.memory_space<hbm>>) dst(%arg6 : memref<128x256xf32, #tpu.memory_space<vmem>>)
      tpu.yield
    }) : () -> ()
    %dma_start3A = arith.constant 0 : i32
    %dma_start3A_5 = arith.constant 0 : i32
    %dma_start3A_6 = tpu.memref_slice %arg4[%dma_start3A, %dma_start3A_5] : memref<11776x256xf32, #tpu.memory_space<hbm>> -> memref<11776x256xf32, #tpu.memory_space<hbm>>
    tpu.enqueue_indirect_dma source(%arg6 : memref<128x256xf32, #tpu.memory_space<vmem>>) target(%dma_start3A_6 : memref<11776x256xf32, #tpu.memory_space<hbm>>) offsets(%arg5 : memref<128xi32, #tpu.memory_space<vmem>>) semaphore(%arg7 : memref<!tpu.dma_semaphore, #tpu.memory_space<semaphore_mem>>)
    %dma_wait3A = arith.constant 0 : i32
    %dma_wait3A_7 = arith.constant 0 : i32
    %dma_wait3A_8 = tpu.memref_slice %arg4[%dma_wait3A, %dma_wait3A_7] : memref<11776x256xf32, #tpu.memory_space<hbm>> -> memref<11776x256xf32, #tpu.memory_space<hbm>>
    tpu.wait_indirect_dma semaphore(%arg7 : memref<!tpu.dma_semaphore, #tpu.memory_space<semaphore_mem>>) src(%arg6 : memref<128x256xf32, #tpu.memory_space<vmem>>) dst(%dma_wait3A_8 : memref<11776x256xf32, #tpu.memory_space<hbm>>)
    %add3A_9 = arith.constant 128 : i32
    %add3A_10 = arith.addi %mul3A_2, %add3A_9 : i32
    "tpu.region"() ({
      %run_scoped3A = tpu.sem_alloc : memref<!tpu.dma_semaphore, #tpu.memory_space<semaphore_mem>>
      %dma_start3A_17 = tpu.memref_slice %arg3[%add3A_10] : memref<8192xi32, #tpu.memory_space<hbm>> -> memref<128xi32, #tpu.memory_space<hbm>>
      %dma_start3A_18 = tpu.memref_slice %arg3[%add3A_10] : memref<8192xi32, #tpu.memory_space<hbm>> -> memref<128xi32, #tpu.memory_space<hbm>>
      tpu.enqueue_dma source(%dma_start3A_18 : memref<128xi32, #tpu.memory_space<hbm>>) target(%arg5 : memref<128xi32, #tpu.memory_space<vmem>>) target_semaphore(%run_scoped3A : memref<!tpu.dma_semaphore, #tpu.memory_space<semaphore_mem>>)
      %dma_wait3A_19 = tpu.memref_slice %arg3[%add3A_10] : memref<8192xi32, #tpu.memory_space<hbm>> -> memref<128xi32, #tpu.memory_space<hbm>>
      %dma_wait3A_20 = tpu.memref_slice %arg3[%add3A_10] : memref<8192xi32, #tpu.memory_space<hbm>> -> memref<128xi32, #tpu.memory_space<hbm>>
      tpu.wait_dma2 semaphore(%run_scoped3A : memref<!tpu.dma_semaphore, #tpu.memory_space<semaphore_mem>>) src(%dma_wait3A_20 : memref<128xi32, #tpu.memory_space<hbm>>) dst(%arg5 : memref<128xi32, #tpu.memory_space<vmem>>)
      tpu.yield
    }) : () -> ()
    "tpu.region"() ({
      %run_scoped3A = tpu.sem_alloc : memref<!tpu.dma_semaphore, #tpu.memory_space<semaphore_mem>>
      %dma_start3A_17 = arith.constant 0 : i32
      %dma_start3A_18 = tpu.memref_slice %arg2[%add3A_10, %dma_start3A_17] : memref<8192x256xf32, #tpu.memory_space<hbm>> -> memref<128x256xf32, #tpu.memory_space<hbm>>
      %dma_start3A_19 = arith.constant 0 : i32
      %dma_start3A_20 = tpu.memref_slice %arg2[%add3A_10, %dma_start3A_19] : memref<8192x256xf32, #tpu.memory_space<hbm>> -> memref<128x256xf32, #tpu.memory_space<hbm>>
      tpu.enqueue_dma source(%dma_start3A_20 : memref<128x256xf32, #tpu.memory_space<hbm>>) target(%arg6 : memref<128x256xf32, #tpu.memory_space<vmem>>) target_semaphore(%run_scoped3A : memref<!tpu.dma_semaphore, #tpu.memory_space<semaphore_mem>>)
      %dma_wait3A_21 = arith.constant 0 : i32
      %dma_wait3A_22 = tpu.memref_slice %arg2[%add3A_10, %dma_wait3A_21] : memref<8192x256xf32, #tpu.memory_space<hbm>> -> memref<128x256xf32, #tpu.memory_space<hbm>>
      %dma_wait3A_23 = arith.constant 0 : i32
      %dma_wait3A_24 = tpu.memref_slice %arg2[%add3A_10, %dma_wait3A_23] : memref<8192x256xf32, #tpu.memory_space<hbm>> -> memref<128x256xf32, #tpu.memory_space<hbm>>
      tpu.wait_dma2 semaphore(%run_scoped3A : memref<!tpu.dma_semaphore, #tpu.memory_space<semaphore_mem>>) src(%dma_wait3A_24 : memref<128x256xf32, #tpu.memory_space<hbm>>) dst(%arg6 : memref<128x256xf32, #tpu.memory_space<vmem>>)
      tpu.yield
    }) : () -> ()
    %dma_start3A_11 = arith.constant 0 : i32
    %dma_start3A_12 = arith.constant 0 : i32
    %dma_start3A_13 = tpu.memref_slice %arg4[%dma_start3A_11, %dma_start3A_12] : memref<11776x256xf32, #tpu.memory_space<hbm>> -> memref<11776x256xf32, #tpu.memory_space<hbm>>
    tpu.enqueue_indirect_dma source(%arg6 : memref<128x256xf32, #tpu.memory_space<vmem>>) target(%dma_start3A_13 : memref<11776x256xf32, #tpu.memory_space<hbm>>) offsets(%arg5 : memref<128xi32, #tpu.memory_space<vmem>>) semaphore(%arg7 : memref<!tpu.dma_semaphore, #tpu.memory_space<semaphore_mem>>)
    %dma_wait3A_14 = arith.constant 0 : i32
    %dma_wait3A_15 = arith.constant 0 : i32
    %dma_wait3A_16 = tpu.memref_slice %arg4[%dma_wait3A_14, %dma_wait3A_15] : memref<11776x256xf32, #tpu.memory_space<hbm>> -> memref<11776x256xf32, #tpu.memory_space<hbm>>
    tpu.wait_indirect_dma semaphore(%arg7 : memref<!tpu.dma_semaphore, #tpu.memory_space<semaphore_mem>>) src(%arg6 : memref<128x256xf32, #tpu.memory_space<vmem>>) dst(%dma_wait3A_16 : memref<11776x256xf32, #tpu.memory_space<hbm>>)
    return
  }
}

module attributes {stable_mosaic.version = 14 : i64} {
  func.func @_rd_body(%arg0: i32, %arg1: memref<512x256xf32, #tpu.memory_space<vmem>>, %arg2: memref<256x128xf32, #tpu.memory_space<vmem>>, %arg3: memref<1x128xf32, #tpu.memory_space<vmem>>, %arg4: memref<128x8xf32, #tpu.memory_space<vmem>>, %arg5: memref<1x8xf32, #tpu.memory_space<vmem>>, %arg6: memref<512x512xf32, #tpu.memory_space<vmem>>, %arg7: memref<8x8xf32, #tpu.memory_space<vmem>>, %arg8: memref<512x8xf32, #tpu.memory_space<vmem>>, %arg9: memref<512x8xi32, #tpu.memory_space<vmem>>, %arg10: memref<32x8xi32, #tpu.memory_space<vmem>>, %arg11: memref<16x512x8xf32, #tpu.memory_space<vmem>>, %arg12: memref<1x8xf32, #tpu.memory_space<vmem>>, %arg13: memref<1x8xf32, #tpu.memory_space<vmem>>) attributes {dimension_semantics = [#tpu.dimension_semantics<arbitrary>], iteration_bounds = array<i64: 32>, scalar_prefetch = 0 : i64, scratch_operands = 3 : i64, tpu.core_type = #tpu.core_type<tc>, window_params = [{transform_indices = @transform_0, window_bounds = array<i64: 512, 256>}, {pipeline_mode = #tpu.pipeline_mode<synchronous>, transform_indices = @transform_1, window_bounds = array<i64: 256, 128>}, {pipeline_mode = #tpu.pipeline_mode<synchronous>, transform_indices = @transform_2, window_bounds = array<i64: 1, 128>}, {pipeline_mode = #tpu.pipeline_mode<synchronous>, transform_indices = @transform_3, window_bounds = array<i64: 128, 8>}, {pipeline_mode = #tpu.pipeline_mode<synchronous>, transform_indices = @transform_4, window_bounds = array<i64: 1, 8>}, {pipeline_mode = #tpu.pipeline_mode<synchronous>, transform_indices = @transform_5, window_bounds = array<i64: 512, 512>}, {pipeline_mode = #tpu.pipeline_mode<synchronous>, transform_indices = @transform_6, window_bounds = array<i64: 8, 8>}, {transform_indices = @transform_7, window_bounds = array<i64: 512, 8>}, {transform_indices = @transform_8, window_bounds = array<i64: 512, 8>}, {pipeline_mode = #tpu.pipeline_mode<synchronous>, transform_indices = @transform_9, window_bounds = array<i64: 32, 8>}]} {
    %eq3A = arith.constant 0 : i32
    %eq3A_0 = arith.cmpi eq, %arg0, %eq3A : i32
    %convert_element_type3A = arith.extui %eq3A_0 : i1 to i32
    %cond3A = arith.constant 0 : i32
    %cond3A_1 = arith.cmpi ne, %convert_element_type3A, %cond3A : i32
    scf.if %cond3A_1 {
      %broadcast_in_dim3A = arith.constant 0.000000e+00 : f32
      %broadcast_in_dim3A_15 = vector.broadcast %broadcast_in_dim3A : f32 to vector<1x8xf32>
      %swap3A = arith.constant 0 : index
      %swap3A_16 = arith.constant 0 : index
      %swap3A_17 = vector.load %arg12[%swap3A, %swap3A_16] : memref<1x8xf32, #tpu.memory_space<vmem>>, vector<1x8xf32>
      tpu.vector_store %arg12[%swap3A, %swap3A_16], %broadcast_in_dim3A_15 {strides = array<i32>} : memref<1x8xf32, #tpu.memory_space<vmem>>, vector<1x8xf32>,
    } else {
    }
    %lt3A = arith.constant 16 : i32
    %lt3A_2 = arith.cmpi slt, %arg0, %lt3A : i32
    %convert_element_type3A_3 = arith.extui %lt3A_2 : i1 to i32
    %cond3A_4 = arith.constant 0 : i32
    %cond3A_5 = arith.cmpi ne, %convert_element_type3A_3, %cond3A_4 : i32
    scf.if %cond3A_5 {
      %get3A = arith.constant 0 : index
      %get3A_15 = arith.constant 0 : index
      %get3A_16 = vector.load %arg1[%get3A, %get3A_15] : memref<512x256xf32, #tpu.memory_space<vmem>>, vector<512x256xf32>
      %get3A_17 = arith.constant 0 : index
      %get3A_18 = arith.constant 0 : index
      %get3A_19 = vector.load %arg2[%get3A_17, %get3A_18] : memref<256x128xf32, #tpu.memory_space<vmem>>, vector<256x128xf32>
      %dot_general3A = arith.constant dense<0.000000e+00> : vector<512x128xf32>
      %dot_general3A_20 = tpu.matmul %get3A_16, %get3A_19, %dot_general3A {dimension_numbers = #tpu.dot_dimension_numbers<[1], [0], [0], [1], [0, 0, 1, 1], [], []>, transpose_lhs_hint = false} : vector<512x256xf32>, vector<256x128xf32>, vector<512x128xf32> -> vector<512x128xf32>
      %get3A_21 = arith.constant 0 : index
      %get3A_22 = arith.constant 0 : index
      %get3A_23 = vector.load %arg3[%get3A_21, %get3A_22] : memref<1x128xf32, #tpu.memory_space<vmem>>, vector<1x128xf32>
      %add3A = vector.broadcast %get3A_23 : vector<1x128xf32> to vector<512x128xf32>
      %add3A_24 = arith.addf %dot_general3A_20, %add3A : vector<512x128xf32>
      %max3A = arith.constant 0.000000e+00 : f32
      %max3A_25 = vector.broadcast %max3A : f32 to vector<512x128xf32>
      %max3A_26 = arith.maximumf %add3A_24, %max3A_25 : vector<512x128xf32>
      %get3A_27 = arith.constant 0 : index
      %get3A_28 = arith.constant 0 : index
      %get3A_29 = vector.load %arg4[%get3A_27, %get3A_28] : memref<128x8xf32, #tpu.memory_space<vmem>>, vector<128x8xf32>
      %dot_general3A_30 = arith.constant dense<0.000000e+00> : vector<512x8xf32>
      %dot_general3A_31 = tpu.matmul %max3A_26, %get3A_29, %dot_general3A_30 {dimension_numbers = #tpu.dot_dimension_numbers<[1], [0], [0], [1], [0, 0, 1, 1], [], []>, transpose_lhs_hint = false} : vector<512x128xf32>, vector<128x8xf32>, vector<512x8xf32> -> vector<512x8xf32>
      %get3A_32 = arith.constant 0 : index
      %get3A_33 = arith.constant 0 : index
      %get3A_34 = vector.load %arg5[%get3A_32, %get3A_33] : memref<1x8xf32, #tpu.memory_space<vmem>>, vector<1x8xf32>
      %add3A_35 = vector.broadcast %get3A_34 : vector<1x8xf32> to vector<512x8xf32>
      %add3A_36 = arith.addf %dot_general3A_31, %add3A_35 : vector<512x8xf32>
      %reduce_max3A = arith.constant dense<0xFF800000> : vector<512xf32>
      %reduce_max3A_37 = vector.multi_reduction <maximumf>, %add3A_36, %reduce_max3A [1] : vector<512x8xf32> to vector<512xf32>
      %broadcast_in_dim3A = vector.shape_cast %reduce_max3A_37 : vector<512xf32> to vector<512x1xf32>
      %sub3A = vector.broadcast %broadcast_in_dim3A : vector<512x1xf32> to vector<512x8xf32>
      %sub3A_38 = arith.subf %add3A_36, %sub3A : vector<512x8xf32>
      %exp3A = math.exp %sub3A_38 : vector<512x8xf32>
      %reduce_sum3A = arith.constant dense<0.000000e+00> : vector<512xf32>
      %reduce_sum3A_39 = vector.multi_reduction <add>, %exp3A, %reduce_sum3A [1] : vector<512x8xf32> to vector<512xf32>
      %broadcast_in_dim3A_40 = vector.shape_cast %reduce_sum3A_39 : vector<512xf32> to vector<512x1xf32>
      %div3A = vector.broadcast %broadcast_in_dim3A_40 : vector<512x1xf32> to vector<512x8xf32>
      %div3A_41 = arith.divf %exp3A, %div3A : vector<512x8xf32>
      %reduce_max3A_42 = arith.constant dense<0xFF800000> : vector<512xf32>
      %reduce_max3A_43 = vector.multi_reduction <maximumf>, %div3A_41, %reduce_max3A_42 [1] : vector<512x8xf32> to vector<512xf32>
      %broadcast_in_dim3A_44 = vector.shape_cast %reduce_max3A_43 : vector<512xf32> to vector<512x1xf32>
      %broadcast_in_dim3A_45 = arith.constant 0.000000e+00 : f32
      %broadcast_in_dim3A_46 = vector.broadcast %broadcast_in_dim3A_45 : f32 to vector<512x1xf32>
      %slice3A = vector.extract_strided_slice %div3A_41 {offsets = [0, 0], sizes = [512, 1], strides = [1, 1]} : vector<512x8xf32> to vector<512x1xf32>
      %ge3A_47 = arith.cmpf oge, %slice3A, %broadcast_in_dim3A_44 : vector<512x1xf32>
      %jit3A = arith.constant 1.000000e+00 : f32
      %jit3A_48 = arith.constant 0.000000e+00 : f32
      %broadcast_in_dim3A_49 = vector.broadcast %jit3A : f32 to vector<512x1xf32>
      %broadcast_in_dim3A_50 = vector.broadcast %jit3A_48 : f32 to vector<512x1xf32>
      %select_n3A = arith.select %ge3A_47, %broadcast_in_dim3A_49, %broadcast_in_dim3A_50 : vector<512x1xi1>, vector<512x1xf32>
      %sub3A_51 = arith.constant 1.000000e+00 : f32
      %sub3A_52 = vector.broadcast %sub3A_51 : f32 to vector<512x1xf32>
      %sub3A_53 = arith.subf %sub3A_52, %broadcast_in_dim3A_46 : vector<512x1xf32>
      %mul3A = arith.mulf %select_n3A, %sub3A_53 : vector<512x1xf32>
      %add3A_54 = arith.addf %broadcast_in_dim3A_46, %mul3A : vector<512x1xf32>
      %slice3A_55 = vector.extract_strided_slice %div3A_41 {offsets = [0, 1], sizes = [512, 1], strides = [1, 1]} : vector<512x8xf32> to vector<512x1xf32>
      %ge3A_56 = arith.cmpf oge, %slice3A_55, %broadcast_in_dim3A_44 : vector<512x1xf32>
      %jit3A_57 = arith.constant 1.000000e+00 : f32
      %jit3A_58 = arith.constant 0.000000e+00 : f32
      %broadcast_in_dim3A_59 = vector.broadcast %jit3A_57 : f32 to vector<512x1xf32>
      %broadcast_in_dim3A_60 = vector.broadcast %jit3A_58 : f32 to vector<512x1xf32>
      %select_n3A_61 = arith.select %ge3A_56, %broadcast_in_dim3A_59, %broadcast_in_dim3A_60 : vector<512x1xi1>, vector<512x1xf32>
      %sub3A_62 = arith.constant 1.000000e+00 : f32
      %sub3A_63 = vector.broadcast %sub3A_62 : f32 to vector<512x1xf32>
      %sub3A_64 = arith.subf %sub3A_63, %add3A_54 : vector<512x1xf32>
      %mul3A_65 = arith.mulf %select_n3A_61, %sub3A_64 : vector<512x1xf32>
      %add3A_66 = arith.addf %add3A_54, %mul3A_65 : vector<512x1xf32>
      %slice3A_67 = vector.extract_strided_slice %div3A_41 {offsets = [0, 2], sizes = [512, 1], strides = [1, 1]} : vector<512x8xf32> to vector<512x1xf32>
      %ge3A_68 = arith.cmpf oge, %slice3A_67, %broadcast_in_dim3A_44 : vector<512x1xf32>
      %jit3A_69 = arith.constant 1.000000e+00 : f32
      %jit3A_70 = arith.constant 0.000000e+00 : f32
      %broadcast_in_dim3A_71 = vector.broadcast %jit3A_69 : f32 to vector<512x1xf32>
      %broadcast_in_dim3A_72 = vector.broadcast %jit3A_70 : f32 to vector<512x1xf32>
      %select_n3A_73 = arith.select %ge3A_68, %broadcast_in_dim3A_71, %broadcast_in_dim3A_72 : vector<512x1xi1>, vector<512x1xf32>
      %sub3A_74 = arith.constant 1.000000e+00 : f32
      %sub3A_75 = vector.broadcast %sub3A_74 : f32 to vector<512x1xf32>
      %sub3A_76 = arith.subf %sub3A_75, %add3A_66 : vector<512x1xf32>
      %mul3A_77 = arith.mulf %select_n3A_73, %sub3A_76 : vector<512x1xf32>
      %add3A_78 = arith.addf %add3A_66, %mul3A_77 : vector<512x1xf32>
      %slice3A_79 = vector.extract_strided_slice %div3A_41 {offsets = [0, 3], sizes = [512, 1], strides = [1, 1]} : vector<512x8xf32> to vector<512x1xf32>
      %ge3A_80 = arith.cmpf oge, %slice3A_79, %broadcast_in_dim3A_44 : vector<512x1xf32>
      %jit3A_81 = arith.constant 1.000000e+00 : f32
      %jit3A_82 = arith.constant 0.000000e+00 : f32
      %broadcast_in_dim3A_83 = vector.broadcast %jit3A_81 : f32 to vector<512x1xf32>
      %broadcast_in_dim3A_84 = vector.broadcast %jit3A_82 : f32 to vector<512x1xf32>
      %select_n3A_85 = arith.select %ge3A_80, %broadcast_in_dim3A_83, %broadcast_in_dim3A_84 : vector<512x1xi1>, vector<512x1xf32>
      %sub3A_86 = arith.constant 1.000000e+00 : f32
      %sub3A_87 = vector.broadcast %sub3A_86 : f32 to vector<512x1xf32>
      %sub3A_88 = arith.subf %sub3A_87, %add3A_78 : vector<512x1xf32>
      %mul3A_89 = arith.mulf %select_n3A_85, %sub3A_88 : vector<512x1xf32>
      %add3A_90 = arith.addf %add3A_78, %mul3A_89 : vector<512x1xf32>
      %slice3A_91 = vector.extract_strided_slice %div3A_41 {offsets = [0, 4], sizes = [512, 1], strides = [1, 1]} : vector<512x8xf32> to vector<512x1xf32>
      %ge3A_92 = arith.cmpf oge, %slice3A_91, %broadcast_in_dim3A_44 : vector<512x1xf32>
      %jit3A_93 = arith.constant 1.000000e+00 : f32
      %jit3A_94 = arith.constant 0.000000e+00 : f32
      %broadcast_in_dim3A_95 = vector.broadcast %jit3A_93 : f32 to vector<512x1xf32>
      %broadcast_in_dim3A_96 = vector.broadcast %jit3A_94 : f32 to vector<512x1xf32>
      %select_n3A_97 = arith.select %ge3A_92, %broadcast_in_dim3A_95, %broadcast_in_dim3A_96 : vector<512x1xi1>, vector<512x1xf32>
      %sub3A_98 = arith.constant 1.000000e+00 : f32
      %sub3A_99 = vector.broadcast %sub3A_98 : f32 to vector<512x1xf32>
      %sub3A_100 = arith.subf %sub3A_99, %add3A_90 : vector<512x1xf32>
      %mul3A_101 = arith.mulf %select_n3A_97, %sub3A_100 : vector<512x1xf32>
      %add3A_102 = arith.addf %add3A_90, %mul3A_101 : vector<512x1xf32>
      %slice3A_103 = vector.extract_strided_slice %div3A_41 {offsets = [0, 5], sizes = [512, 1], strides = [1, 1]} : vector<512x8xf32> to vector<512x1xf32>
      %ge3A_104 = arith.cmpf oge, %slice3A_103, %broadcast_in_dim3A_44 : vector<512x1xf32>
      %jit3A_105 = arith.constant 1.000000e+00 : f32
      %jit3A_106 = arith.constant 0.000000e+00 : f32
      %broadcast_in_dim3A_107 = vector.broadcast %jit3A_105 : f32 to vector<512x1xf32>
      %broadcast_in_dim3A_108 = vector.broadcast %jit3A_106 : f32 to vector<512x1xf32>
      %select_n3A_109 = arith.select %ge3A_104, %broadcast_in_dim3A_107, %broadcast_in_dim3A_108 : vector<512x1xi1>, vector<512x1xf32>
      %sub3A_110 = arith.constant 1.000000e+00 : f32
      %sub3A_111 = vector.broadcast %sub3A_110 : f32 to vector<512x1xf32>
      %sub3A_112 = arith.subf %sub3A_111, %add3A_102 : vector<512x1xf32>
      %mul3A_113 = arith.mulf %select_n3A_109, %sub3A_112 : vector<512x1xf32>
      %add3A_114 = arith.addf %add3A_102, %mul3A_113 : vector<512x1xf32>
      %slice3A_115 = vector.extract_strided_slice %div3A_41 {offsets = [0, 6], sizes = [512, 1], strides = [1, 1]} : vector<512x8xf32> to vector<512x1xf32>
      %ge3A_116 = arith.cmpf oge, %slice3A_115, %broadcast_in_dim3A_44 : vector<512x1xf32>
      %jit3A_117 = arith.constant 1.000000e+00 : f32
      %jit3A_118 = arith.constant 0.000000e+00 : f32
      %broadcast_in_dim3A_119 = vector.broadcast %jit3A_117 : f32 to vector<512x1xf32>
      %broadcast_in_dim3A_120 = vector.broadcast %jit3A_118 : f32 to vector<512x1xf32>
      %select_n3A_121 = arith.select %ge3A_116, %broadcast_in_dim3A_119, %broadcast_in_dim3A_120 : vector<512x1xi1>, vector<512x1xf32>
      %sub3A_122 = arith.constant 1.000000e+00 : f32
      %sub3A_123 = vector.broadcast %sub3A_122 : f32 to vector<512x1xf32>
      %sub3A_124 = arith.subf %sub3A_123, %add3A_114 : vector<512x1xf32>
      %mul3A_125 = arith.mulf %select_n3A_121, %sub3A_124 : vector<512x1xf32>
      %add3A_126 = arith.addf %add3A_114, %mul3A_125 : vector<512x1xf32>
      %slice3A_127 = vector.extract_strided_slice %div3A_41 {offsets = [0, 7], sizes = [512, 1], strides = [1, 1]} : vector<512x8xf32> to vector<512x1xf32>
      %ge3A_128 = arith.cmpf oge, %slice3A_127, %broadcast_in_dim3A_44 : vector<512x1xf32>
      %jit3A_129 = arith.constant 1.000000e+00 : f32
      %jit3A_130 = arith.constant 0.000000e+00 : f32
      %broadcast_in_dim3A_131 = vector.broadcast %jit3A_129 : f32 to vector<512x1xf32>
      %broadcast_in_dim3A_132 = vector.broadcast %jit3A_130 : f32 to vector<512x1xf32>
      %select_n3A_133 = arith.select %ge3A_128, %broadcast_in_dim3A_131, %broadcast_in_dim3A_132 : vector<512x1xi1>, vector<512x1xf32>
      %sub3A_134 = arith.constant 1.000000e+00 : f32
      %sub3A_135 = vector.broadcast %sub3A_134 : f32 to vector<512x1xf32>
      %sub3A_136 = arith.subf %sub3A_135, %add3A_126 : vector<512x1xf32>
      %mul3A_137 = arith.mulf %select_n3A_133, %sub3A_136 : vector<512x1xf32>
      %concatenate3A = tpu.concatenate %mul3A, %mul3A_65, %mul3A_77, %mul3A_89, %mul3A_101, %mul3A_113, %mul3A_125, %mul3A_137 in 1 : vector<512x1xf32>, vector<512x1xf32>, vector<512x1xf32>, vector<512x1xf32>, vector<512x1xf32>, vector<512x1xf32>, vector<512x1xf32>, vector<512x1xf32> -> vector<512x8xf32>
      %mul3A_138 = vector.broadcast %broadcast_in_dim3A_44 : vector<512x1xf32> to vector<512x8xf32>
      %mul3A_139 = arith.mulf %concatenate3A, %mul3A_138 : vector<512x8xf32>
      %swap3A = arith.constant 0 : index
      %swap3A_140 = arith.constant 0 : index
      %swap3A_141 = vector.load %arg8[%swap3A, %swap3A_140] : memref<512x8xf32, #tpu.memory_space<vmem>>, vector<512x8xf32>
      tpu.vector_store %arg8[%swap3A, %swap3A_140], %mul3A_139 {strides = array<i32>} : memref<512x8xf32, #tpu.memory_space<vmem>>, vector<512x8xf32>,
      %swap3A_142 = arith.index_cast %arg0 : i32 to index
      %swap3A_143 = arith.constant 0 : index
      %swap3A_144 = arith.constant 0 : index
      %swap3A_145 = vector.load %arg11[%swap3A_142, %swap3A_143, %swap3A_144] : memref<16x512x8xf32, #tpu.memory_space<vmem>>, vector<1x512x8xf32>
      %swap3A_146 = vector.shape_cast %swap3A_145 : vector<1x512x8xf32> to vector<512x8xf32>
      %swap3A_147 = vector.shape_cast %mul3A_139 : vector<512x8xf32> to vector<1x512x8xf32>
      tpu.vector_store %arg11[%swap3A_142, %swap3A_143, %swap3A_144], %swap3A_147 {strides = array<i32>} : memref<16x512x8xf32, #tpu.memory_space<vmem>>, vector<1x512x8xf32>,
      %get3A_148 = arith.constant 0 : index
      %get3A_149 = arith.constant 0 : index
      %get3A_150 = vector.load %arg12[%get3A_148, %get3A_149] : memref<1x8xf32, #tpu.memory_space<vmem>>, vector<1x8xf32>
      %reduce_sum3A_151 = arith.constant dense<0.000000e+00> : vector<8xf32>
      %reduce_sum3A_152 = vector.multi_reduction <add>, %concatenate3A, %reduce_sum3A_151 [0] : vector<512x8xf32> to vector<8xf32>
      %broadcast_in_dim3A_153 = vector.shape_cast %reduce_sum3A_152 : vector<8xf32> to vector<1x8xf32>
      %add3A_154 = arith.addf %get3A_150, %broadcast_in_dim3A_153 : vector<1x8xf32>
      %swap3A_155 = arith.constant 0 : index
      %swap3A_156 = arith.constant 0 : index
      %swap3A_157 = vector.load %arg12[%swap3A_155, %swap3A_156] : memref<1x8xf32, #tpu.memory_space<vmem>>, vector<1x8xf32>
      tpu.vector_store %arg12[%swap3A_155, %swap3A_156], %add3A_154 {strides = array<i32>} : memref<1x8xf32, #tpu.memory_space<vmem>>, vector<1x8xf32>,
    } else {
    }
    %eq3A_6 = arith.constant 16 : i32
    %eq3A_7 = arith.cmpi eq, %arg0, %eq3A_6 : i32
    %convert_element_type3A_8 = arith.extui %eq3A_7 : i1 to i32
    %cond3A_9 = arith.constant 0 : i32
    %cond3A_10 = arith.cmpi ne, %convert_element_type3A_8, %cond3A_9 : i32
    scf.if %cond3A_10 {
      %broadcast_in_dim3A = arith.constant 0.000000e+00 : f32
      %broadcast_in_dim3A_15 = vector.broadcast %broadcast_in_dim3A : f32 to vector<1x8xf32>
      %swap3A = arith.constant 0 : index
      %swap3A_16 = arith.constant 0 : index
      %swap3A_17 = vector.load %arg13[%swap3A, %swap3A_16] : memref<1x8xf32, #tpu.memory_space<vmem>>, vector<1x8xf32>
      tpu.vector_store %arg13[%swap3A, %swap3A_16], %broadcast_in_dim3A_15 {strides = array<i32>} : memref<1x8xf32, #tpu.memory_space<vmem>>, vector<1x8xf32>,
    } else {
    }
    %ge3A = arith.constant 16 : i32
    %ge3A_11 = arith.cmpi sge, %arg0, %ge3A : i32
    %convert_element_type3A_12 = arith.extui %ge3A_11 : i1 to i32
    %cond3A_13 = arith.constant 0 : i32
    %cond3A_14 = arith.cmpi ne, %convert_element_type3A_12, %cond3A_13 : i32
    scf.if %cond3A_14 {
      %sub3A = arith.constant 16 : i32
      %sub3A_15 = arith.subi %arg0, %sub3A : i32
      %get3A = arith.constant 0 : index
      %get3A_16 = arith.constant 0 : index
      %get3A_17 = vector.load %arg12[%get3A, %get3A_16] : memref<1x8xf32, #tpu.memory_space<vmem>>, vector<1x8xf32>
      %convert_element_type3A_18 = arith.fptosi %get3A_17 : vector<1x8xf32> to vector<1x8xi32>
      %add3A = arith.constant 511 : i32
      %add3A_19 = vector.broadcast %add3A : i32 to vector<1x8xi32>
      %add3A_20 = arith.addi %convert_element_type3A_18, %add3A_19 : vector<1x8xi32>
      %shift_right_arithmetic3A = arith.constant 9 : i32
      %shift_right_arithmetic3A_21 = vector.broadcast %shift_right_arithmetic3A : i32 to vector<1x8xi32>
      %shift_right_arithmetic3A_22 = arith.shrsi %add3A_20, %shift_right_arithmetic3A_21 : vector<1x8xi32>
      %convert_element_type3A_23 = arith.sitofp %shift_right_arithmetic3A_22 : vector<1x8xi32> to vector<1x8xf32>
      %get3A_24 = arith.constant 0 : index
      %get3A_25 = arith.constant 0 : index
      %get3A_26 = vector.load %arg7[%get3A_24, %get3A_25] : memref<8x8xf32, #tpu.memory_space<vmem>>, vector<8x8xf32>
      %dot_general3A = arith.constant dense<0.000000e+00> : vector<1x8xf32>
      %dot_general3A_27 = tpu.matmul %convert_element_type3A_23, %get3A_26, %dot_general3A {dimension_numbers = #tpu.dot_dimension_numbers<[1], [0], [0], [1], [0, 0, 1, 1], [], []>, transpose_lhs_hint = false} : vector<1x8xf32>, vector<8x8xf32>, vector<1x8xf32> -> vector<1x8xf32>
      %mul3A = arith.constant 5.120000e+02 : f32
      %mul3A_28 = vector.broadcast %mul3A : f32 to vector<1x8xf32>
      %mul3A_29 = arith.mulf %dot_general3A_27, %mul3A_28 : vector<1x8xf32>
      %get3A_30 = arith.index_cast %sub3A_15 : i32 to index
      %get3A_31 = arith.constant 0 : index
      %get3A_32 = arith.constant 0 : index
      %get3A_33 = vector.load %arg11[%get3A_30, %get3A_31, %get3A_32] : memref<16x512x8xf32, #tpu.memory_space<vmem>>, vector<1x512x8xf32>
      %get3A_34 = vector.shape_cast %get3A_33 : vector<1x512x8xf32> to vector<512x8xf32>
      %gt3A = arith.constant 0.000000e+00 : f32
      %gt3A_35 = vector.broadcast %gt3A : f32 to vector<512x8xf32>
      %gt3A_36 = arith.cmpf ogt, %get3A_34, %gt3A_35 : vector<512x8xf32>
      %jit3A = arith.constant 1.000000e+00 : f32
      %jit3A_37 = arith.constant 0.000000e+00 : f32
      %broadcast_in_dim3A = vector.broadcast %jit3A : f32 to vector<512x8xf32>
      %broadcast_in_dim3A_38 = vector.broadcast %jit3A_37 : f32 to vector<512x8xf32>
      %select_n3A = arith.select %gt3A_36, %broadcast_in_dim3A, %broadcast_in_dim3A_38 : vector<512x8xi1>, vector<512x8xf32>
      %get3A_39 = arith.constant 0 : index
      %get3A_40 = arith.constant 0 : index
      %get3A_41 = vector.load %arg6[%get3A_39, %get3A_40] : memref<512x512xf32, #tpu.memory_space<vmem>>, vector<512x512xf32>
      %dot_general3A_42 = arith.constant dense<0.000000e+00> : vector<512x8xf32>
      %dot_general3A_43 = tpu.matmul %get3A_41, %select_n3A, %dot_general3A_42 {dimension_numbers = #tpu.dot_dimension_numbers<[1], [0], [0], [1], [0, 0, 1, 1], [], []>, transpose_lhs_hint = false} : vector<512x512xf32>, vector<512x8xf32>, vector<512x8xf32> -> vector<512x8xf32>
      %get3A_44 = arith.constant 0 : index
      %get3A_45 = arith.constant 0 : index
      %get3A_46 = vector.load %arg13[%get3A_44, %get3A_45] : memref<1x8xf32, #tpu.memory_space<vmem>>, vector<1x8xf32>
      %add3A_47 = arith.addf %mul3A_29, %get3A_46 : vector<1x8xf32>
      %add3A_48 = vector.broadcast %add3A_47 : vector<1x8xf32> to vector<512x8xf32>
      %add3A_49 = arith.addf %dot_general3A_43, %add3A_48 : vector<512x8xf32>
      %mul3A_50 = arith.mulf %select_n3A, %add3A_49 : vector<512x8xf32>
      %reduce_sum3A = arith.constant dense<0.000000e+00> : vector<512xf32>
      %reduce_sum3A_51 = vector.multi_reduction <add>, %mul3A_50, %reduce_sum3A [1] : vector<512x8xf32> to vector<512xf32>
      %broadcast_in_dim3A_52 = vector.shape_cast %reduce_sum3A_51 : vector<512xf32> to vector<512x1xf32>
      %convert_element_type3A_53 = arith.fptosi %broadcast_in_dim3A_52 : vector<512x1xf32> to vector<512x1xi32>
      %broadcast_in_dim3A_54 = vector.shape_cast %convert_element_type3A_53 : vector<512x1xi32> to vector<512x1xi32>
      %broadcast_in_dim3A_55 = vector.broadcast %broadcast_in_dim3A_54 : vector<512x1xi32> to vector<512x8xi32>
      %swap3A = arith.constant 0 : index
      %swap3A_56 = arith.constant 0 : index
      %swap3A_57 = vector.load %arg9[%swap3A, %swap3A_56] : memref<512x8xi32, #tpu.memory_space<vmem>>, vector<512x8xi32>
      tpu.vector_store %arg9[%swap3A, %swap3A_56], %broadcast_in_dim3A_55 {strides = array<i32>} : memref<512x8xi32, #tpu.memory_space<vmem>>, vector<512x8xi32>,
      %get3A_58 = arith.constant 0 : index
      %get3A_59 = arith.constant 0 : index
      %get3A_60 = vector.load %arg13[%get3A_58, %get3A_59] : memref<1x8xf32, #tpu.memory_space<vmem>>, vector<1x8xf32>
      %reduce_sum3A_61 = arith.constant dense<0.000000e+00> : vector<8xf32>
      %reduce_sum3A_62 = vector.multi_reduction <add>, %select_n3A, %reduce_sum3A_61 [0] : vector<512x8xf32> to vector<8xf32>
      %broadcast_in_dim3A_63 = vector.shape_cast %reduce_sum3A_62 : vector<8xf32> to vector<1x8xf32>
      %add3A_64 = arith.addf %get3A_60, %broadcast_in_dim3A_63 : vector<1x8xf32>
      %swap3A_65 = arith.constant 0 : index
      %swap3A_66 = arith.constant 0 : index
      %swap3A_67 = vector.load %arg13[%swap3A_65, %swap3A_66] : memref<1x8xf32, #tpu.memory_space<vmem>>, vector<1x8xf32>
      tpu.vector_store %arg13[%swap3A_65, %swap3A_66], %add3A_64 {strides = array<i32>} : memref<1x8xf32, #tpu.memory_space<vmem>>, vector<1x8xf32>,
      %iota3A = tpu.iota {dimensions = array<i32: 0>} : vector<32x8xi32>
      %mul3A_68 = arith.constant 512 : i32
      %mul3A_69 = vector.broadcast %mul3A_68 : i32 to vector<32x8xi32>
      %mul3A_70 = arith.muli %iota3A, %mul3A_69 : vector<32x8xi32>
      %convert_element_type3A_71 = arith.fptosi %mul3A_29 : vector<1x8xf32> to vector<1x8xi32>
      %ge3A_72 = vector.broadcast %convert_element_type3A_71 : vector<1x8xi32> to vector<32x8xi32>
      %ge3A_73 = arith.cmpi sge, %mul3A_70, %ge3A_72 : vector<32x8xi32>
      %jit3A_74 = arith.constant 1 : i32
      %jit3A_75 = arith.constant 0 : i32
      %broadcast_in_dim3A_76 = vector.broadcast %jit3A_74 : i32 to vector<32x8xi32>
      %broadcast_in_dim3A_77 = vector.broadcast %jit3A_75 : i32 to vector<32x8xi32>
      %select_n3A_78 = arith.select %ge3A_73, %broadcast_in_dim3A_76, %broadcast_in_dim3A_77 : vector<32x8xi1>, vector<32x8xi32>
      %reduce_sum3A_79 = arith.constant dense<0> : vector<32xi32>
      %reduce_sum3A_80 = vector.multi_reduction <add>, %select_n3A_78, %reduce_sum3A_79 [1] : vector<32x8xi32> to vector<32xi32>
      %broadcast_in_dim3A_81 = vector.shape_cast %reduce_sum3A_80 : vector<32xi32> to vector<32x1xi32>
      %sub3A_82 = arith.constant 1 : i32
      %sub3A_83 = vector.broadcast %sub3A_82 : i32 to vector<32x1xi32>
      %sub3A_84 = arith.subi %broadcast_in_dim3A_81, %sub3A_83 : vector<32x1xi32>
      %broadcast_in_dim3A_85 = vector.shape_cast %sub3A_84 : vector<32x1xi32> to vector<32x1xi32>
      %broadcast_in_dim3A_86 = vector.broadcast %broadcast_in_dim3A_85 : vector<32x1xi32> to vector<32x8xi32>
      %swap3A_87 = arith.constant 0 : index
      %swap3A_88 = arith.constant 0 : index
      %swap3A_89 = vector.load %arg10[%swap3A_87, %swap3A_88] : memref<32x8xi32, #tpu.memory_space<vmem>>, vector<32x8xi32>
      tpu.vector_store %arg10[%swap3A_87, %swap3A_88], %broadcast_in_dim3A_86 {strides = array<i32>} : memref<32x8xi32, #tpu.memory_space<vmem>>, vector<32x8xi32>,
    } else {
    }
    return
  }
  func.func @transform_0(%arg0: i32) -> (i32, i32) {
    %min3A = arith.constant 15 : i32
    %min3A_0 = arith.minsi %arg0, %min3A : i32
    %c0_i32 = arith.constant 0 : i32
    %c0_i32_1 = arith.constant 0 : i32
    return %min3A_0, %c0_i32 : i32, i32
  }
  func.func @transform_1(%arg0: i32) -> (i32, i32) {
    %c0_i32 = arith.constant 0 : i32
    %c0_i32_0 = arith.constant 0 : i32
    %c0_i32_1 = arith.constant 0 : i32
    return %c0_i32, %c0_i32_0 : i32, i32
  }
  func.func @transform_2(%arg0: i32) -> (i32, i32) {
    %c0_i32 = arith.constant 0 : i32
    %c0_i32_0 = arith.constant 0 : i32
    %c0_i32_1 = arith.constant 0 : i32
    return %c0_i32, %c0_i32_0 : i32, i32
  }
  func.func @transform_3(%arg0: i32) -> (i32, i32) {
    %c0_i32 = arith.constant 0 : i32
    %c0_i32_0 = arith.constant 0 : i32
    %c0_i32_1 = arith.constant 0 : i32
    return %c0_i32, %c0_i32_0 : i32, i32
  }
  func.func @transform_4(%arg0: i32) -> (i32, i32) {
    %c0_i32 = arith.constant 0 : i32
    %c0_i32_0 = arith.constant 0 : i32
    %c0_i32_1 = arith.constant 0 : i32
    return %c0_i32, %c0_i32_0 : i32, i32
  }
  func.func @transform_5(%arg0: i32) -> (i32, i32) {
    %c0_i32 = arith.constant 0 : i32
    %c0_i32_0 = arith.constant 0 : i32
    %c0_i32_1 = arith.constant 0 : i32
    return %c0_i32, %c0_i32_0 : i32, i32
  }
  func.func @transform_6(%arg0: i32) -> (i32, i32) {
    %c0_i32 = arith.constant 0 : i32
    %c0_i32_0 = arith.constant 0 : i32
    %c0_i32_1 = arith.constant 0 : i32
    return %c0_i32, %c0_i32_0 : i32, i32
  }
  func.func @transform_7(%arg0: i32) -> (i32, i32) {
    %min3A = arith.constant 15 : i32
    %min3A_0 = arith.minsi %arg0, %min3A : i32
    %c0_i32 = arith.constant 0 : i32
    %c0_i32_1 = arith.constant 0 : i32
    return %min3A_0, %c0_i32 : i32, i32
  }
  func.func @transform_8(%arg0: i32) -> (i32, i32) {
    %sub3A = arith.constant 16 : i32
    %sub3A_0 = arith.subi %arg0, %sub3A : i32
    %max3A = arith.constant 0 : i32
    %max3A_1 = arith.maxsi %sub3A_0, %max3A : i32
    %c0_i32 = arith.constant 0 : i32
    %c0_i32_2 = arith.constant 0 : i32
    return %max3A_1, %c0_i32 : i32, i32
  }
  func.func @transform_9(%arg0: i32) -> (i32, i32) {
    %c0_i32 = arith.constant 0 : i32
    %c0_i32_0 = arith.constant 0 : i32
    %c0_i32_1 = arith.constant 0 : i32
    return %c0_i32, %c0_i32_0 : i32, i32
  }
}

module attributes {stable_mosaic.version = 14 : i64} {
  func.func @body(%arg0: i32, %arg1: memref<23xi32, #tpu.memory_space<smem>>, %arg2: memref<512x256xf32, #tpu.memory_space<vmem>>, %arg3: memref<1x256x768xbf16, #tpu.memory_space<vmem>>, %arg4: memref<1x1x768xf32, #tpu.memory_space<vmem>>, %arg5: memref<512x768xf32, #tpu.memory_space<vmem>>) attributes {dimension_semantics = [#tpu.dimension_semantics<arbitrary>], iteration_bounds = array<i64: 23>, scalar_prefetch = 1 : i64, scratch_operands = 0 : i64, tpu.core_type = #tpu.core_type<tc>, window_params = [{transform_indices = @transform_0, window_bounds = array<i64: 512, 256>}, {transform_indices = @transform_1, window_bounds = array<i64: 1, 256, 768>}, {transform_indices = @transform_2, window_bounds = array<i64: 1, 1, 768>}, {transform_indices = @transform_3, window_bounds = array<i64: 512, 768>}]} {
    %get3A = arith.constant 0 : index
    %get3A_0 = arith.constant 0 : index
    %get3A_1 = vector.load %arg2[%get3A, %get3A_0] : memref<512x256xf32, #tpu.memory_space<vmem>>, vector<512x256xf32>
    %convert_element_type3A = arith.truncf %get3A_1 : vector<512x256xf32> to vector<512x256xbf16>
    %get3A_2 = arith.constant 0 : index
    %get3A_3 = arith.constant 0 : index
    %get3A_4 = arith.constant 0 : index
    %get3A_5 = vector.load %arg3[%get3A_2, %get3A_3, %get3A_4] : memref<1x256x768xbf16, #tpu.memory_space<vmem>>, vector<1x256x768xbf16>
    %get3A_6 = vector.shape_cast %get3A_5 : vector<1x256x768xbf16> to vector<256x768xbf16>
    %dot_general3A = arith.constant dense<0.000000e+00> : vector<512x768xf32>
    %dot_general3A_7 = tpu.matmul %convert_element_type3A, %get3A_6, %dot_general3A {dimension_numbers = #tpu.dot_dimension_numbers<[1], [0], [0], [1], [0, 0, 1, 1], [], []>, transpose_lhs_hint = false} : vector<512x256xbf16>, vector<256x768xbf16>, vector<512x768xf32> -> vector<512x768xf32>
    %get3A_8 = arith.constant 0 : index
    %get3A_9 = arith.constant 0 : index
    %get3A_10 = arith.constant 0 : index
    %get3A_11 = vector.load %arg4[%get3A_8, %get3A_9, %get3A_10] : memref<1x1x768xf32, #tpu.memory_space<vmem>>, vector<1x1x768xf32>
    %get3A_12 = vector.shape_cast %get3A_11 : vector<1x1x768xf32> to vector<1x768xf32>
    %add3A = vector.broadcast %get3A_12 : vector<1x768xf32> to vector<512x768xf32>
    %add3A_13 = arith.addf %dot_general3A_7, %add3A : vector<512x768xf32>
    %swap3A = arith.constant 0 : index
    %swap3A_14 = arith.constant 0 : index
    %swap3A_15 = vector.load %arg5[%swap3A, %swap3A_14] : memref<512x768xf32, #tpu.memory_space<vmem>>, vector<512x768xf32>
    tpu.vector_store %arg5[%swap3A, %swap3A_14], %add3A_13 {strides = array<i32>} : memref<512x768xf32, #tpu.memory_space<vmem>>, vector<512x768xf32>,
    return
  }
  func.func @transform_0(%arg0: i32, %arg1: memref<23xi32, #tpu.memory_space<smem>>) -> (i32, i32) {
    %c0_i32 = arith.constant 0 : i32
    %c0_i32_0 = arith.constant 0 : i32
    return %arg0, %c0_i32 : i32, i32
  }
  func.func @transform_1(%arg0: i32, %arg1: memref<23xi32, #tpu.memory_space<smem>>) -> (i32, i32, i32) {
    %get3A = arith.index_cast %arg0 : i32 to index
    %get3A_0 = memref.load %arg1[%get3A] : memref<23xi32, #tpu.memory_space<smem>>
    %c0_i32 = arith.constant 0 : i32
    %c0_i32_1 = arith.constant 0 : i32
    %c0_i32_2 = arith.constant 0 : i32
    return %get3A_0, %c0_i32, %c0_i32_1 : i32, i32, i32
  }
  func.func @transform_2(%arg0: i32, %arg1: memref<23xi32, #tpu.memory_space<smem>>) -> (i32, i32, i32) {
    %get3A = arith.index_cast %arg0 : i32 to index
    %get3A_0 = memref.load %arg1[%get3A] : memref<23xi32, #tpu.memory_space<smem>>
    %c0_i32 = arith.constant 0 : i32
    %c0_i32_1 = arith.constant 0 : i32
    %c0_i32_2 = arith.constant 0 : i32
    return %get3A_0, %c0_i32, %c0_i32_1 : i32, i32, i32
  }
  func.func @transform_3(%arg0: i32, %arg1: memref<23xi32, #tpu.memory_space<smem>>) -> (i32, i32) {
    %c0_i32 = arith.constant 0 : i32
    %c0_i32_0 = arith.constant 0 : i32
    return %arg0, %c0_i32 : i32, i32
  }
}

module attributes {stable_mosaic.version = 14 : i64} {
  func.func @_attn_body(%arg0: i32, %arg1: memref<512x768xf32, #tpu.memory_space<vmem>>, %arg2: memref<512x8xf32, #tpu.memory_space<vmem>>, %arg3: memref<512x512xf32, #tpu.memory_space<vmem>>, %arg4: memref<512x512xf32, #tpu.memory_space<vmem>>, %arg5: memref<512x512xf32, #tpu.memory_space<vmem>>, %arg6: memref<512x512xf32, #tpu.memory_space<vmem>>, %arg7: memref<8x256x256xbf16, #tpu.memory_space<vmem>>, %arg8: memref<8x256xf32, #tpu.memory_space<vmem>>, %arg9: memref<512x256xf32, #tpu.memory_space<vmem>>, %arg10: memref<8x64x768xf32, #tpu.memory_space<vmem>>, %arg11: memref<8x64x768xf32, #tpu.memory_space<vmem>>, %arg12: memref<8x64x256xf32, #tpu.memory_space<vmem>>) attributes {dimension_semantics = [#tpu.dimension_semantics<arbitrary>], iteration_bounds = array<i64: 16>, scalar_prefetch = 0 : i64, scratch_operands = 3 : i64, tpu.core_type = #tpu.core_type<tc>, window_params = [{transform_indices = @transform_0, window_bounds = array<i64: 512, 768>}, {transform_indices = @transform_1, window_bounds = array<i64: 512, 8>}, {pipeline_mode = #tpu.pipeline_mode<synchronous>, transform_indices = @transform_2, window_bounds = array<i64: 512, 512>}, {pipeline_mode = #tpu.pipeline_mode<synchronous>, transform_indices = @transform_3, window_bounds = array<i64: 512, 512>}, {pipeline_mode = #tpu.pipeline_mode<synchronous>, transform_indices = @transform_4, window_bounds = array<i64: 512, 512>}, {pipeline_mode = #tpu.pipeline_mode<synchronous>, transform_indices = @transform_5, window_bounds = array<i64: 512, 512>}, {pipeline_mode = #tpu.pipeline_mode<synchronous>, transform_indices = @transform_6, window_bounds = array<i64: 8, 256, 256>}, {pipeline_mode = #tpu.pipeline_mode<synchronous>, transform_indices = @transform_7, window_bounds = array<i64: 8, 256>}, {transform_indices = @transform_8, window_bounds = array<i64: 512, 256>}]} {
    %get3A = arith.constant 0 : index
    %get3A_0 = arith.constant 0 : index
    %get3A_1 = vector.load %arg1[%get3A, %get3A_0] : memref<512x768xf32, #tpu.memory_space<vmem>>, vector<512x768xf32>
    %slice3A = vector.extract_strided_slice %get3A_1 {offsets = [0, 0], sizes = [512, 512], strides = [1, 1]} : vector<512x768xf32> to vector<512x512xf32>
    %get3A_2 = arith.constant 0 : index
    %get3A_3 = arith.constant 0 : index
    %get3A_4 = vector.load %arg3[%get3A_2, %get3A_3] : memref<512x512xf32, #tpu.memory_space<vmem>>, vector<512x512xf32>
    %mul3A = arith.mulf %slice3A, %get3A_4 : vector<512x512xf32>
    %get3A_5 = arith.constant 0 : index
    %get3A_6 = arith.constant 0 : index
    %get3A_7 = vector.load %arg6[%get3A_5, %get3A_6] : memref<512x512xf32, #tpu.memory_space<vmem>>, vector<512x512xf32>
    %dot_general3A = arith.constant dense<0.000000e+00> : vector<512x512xf32>
    %dot_general3A_8 = tpu.matmul %slice3A, %get3A_7, %dot_general3A {dimension_numbers = #tpu.dot_dimension_numbers<[1], [0], [0], [1], [0, 0, 1, 1], [], []>, transpose_lhs_hint = false} : vector<512x512xf32>, vector<512x512xf32>, vector<512x512xf32> -> vector<512x512xf32>
    %get3A_9 = arith.constant 0 : index
    %get3A_10 = arith.constant 0 : index
    %get3A_11 = vector.load %arg4[%get3A_9, %get3A_10] : memref<512x512xf32, #tpu.memory_space<vmem>>, vector<512x512xf32>
    %mul3A_12 = arith.mulf %dot_general3A_8, %get3A_11 : vector<512x512xf32>
    %add3A = arith.addf %mul3A, %mul3A_12 : vector<512x512xf32>
    %slice3A_13 = vector.extract_strided_slice %get3A_1 {offsets = [0, 512], sizes = [512, 256], strides = [1, 1]} : vector<512x768xf32> to vector<512x256xf32>
    %concatenate3A = tpu.concatenate %add3A, %slice3A_13 in 1 : vector<512x512xf32>, vector<512x256xf32> -> vector<512x768xf32>
    %reshape3A = vector.shape_cast %concatenate3A : vector<512x768xf32> to vector<8x64x768xf32>
    %swap3A = arith.constant 0 : index
    %swap3A_14 = arith.constant 0 : index
    %swap3A_15 = arith.constant 0 : index
    %swap3A_16 = vector.load %arg10[%swap3A, %swap3A_14, %swap3A_15] : memref<8x64x768xf32, #tpu.memory_space<vmem>>, vector<8x64x768xf32>
    tpu.vector_store %arg10[%swap3A, %swap3A_14, %swap3A_15], %reshape3A {strides = array<i32>} : memref<8x64x768xf32, #tpu.memory_space<vmem>>, vector<8x64x768xf32>,
    %get3A_17 = arith.constant 0 : index
    %get3A_18 = arith.constant 0 : index
    %get3A_19 = arith.constant 0 : index
    %get3A_20 = vector.load %arg10[%get3A_17, %get3A_18, %get3A_19] : memref<8x64x768xf32, #tpu.memory_space<vmem>>, vector<8x8x768xf32>
    %reshape3A_21 = vector.shape_cast %get3A_20 : vector<8x8x768xf32> to vector<64x768xf32>
    %swap3A_22 = arith.constant 0 : index
    %swap3A_23 = arith.constant 0 : index
    %swap3A_24 = arith.constant 0 : index
    %swap3A_25 = vector.load %arg11[%swap3A_22, %swap3A_23, %swap3A_24] : memref<8x64x768xf32, #tpu.memory_space<vmem>>, vector<1x64x768xf32>
    %swap3A_26 = vector.shape_cast %swap3A_25 : vector<1x64x768xf32> to vector<64x768xf32>
    %swap3A_27 = vector.shape_cast %reshape3A_21 : vector<64x768xf32> to vector<1x64x768xf32>
    tpu.vector_store %arg11[%swap3A_22, %swap3A_23, %swap3A_24], %swap3A_27 {strides = array<i32>} : memref<8x64x768xf32, #tpu.memory_space<vmem>>, vector<1x64x768xf32>,
    %get3A_28 = arith.constant 0 : index
    %get3A_29 = arith.constant 8 : index
    %get3A_30 = arith.constant 0 : index
    %get3A_31 = vector.load %arg10[%get3A_28, %get3A_29, %get3A_30] : memref<8x64x768xf32, #tpu.memory_space<vmem>>, vector<8x8x768xf32>
    %reshape3A_32 = vector.shape_cast %get3A_31 : vector<8x8x768xf32> to vector<64x768xf32>
    %swap3A_33 = arith.constant 1 : index
    %swap3A_34 = arith.constant 0 : index
    %swap3A_35 = arith.constant 0 : index
    %swap3A_36 = vector.load %arg11[%swap3A_33, %swap3A_34, %swap3A_35] : memref<8x64x768xf32, #tpu.memory_space<vmem>>, vector<1x64x768xf32>
    %swap3A_37 = vector.shape_cast %swap3A_36 : vector<1x64x768xf32> to vector<64x768xf32>
    %swap3A_38 = vector.shape_cast %reshape3A_32 : vector<64x768xf32> to vector<1x64x768xf32>
    tpu.vector_store %arg11[%swap3A_33, %swap3A_34, %swap3A_35], %swap3A_38 {strides = array<i32>} : memref<8x64x768xf32, #tpu.memory_space<vmem>>, vector<1x64x768xf32>,
    %get3A_39 = arith.constant 0 : index
    %get3A_40 = arith.constant 16 : index
    %get3A_41 = arith.constant 0 : index
    %get3A_42 = vector.load %arg10[%get3A_39, %get3A_40, %get3A_41] : memref<8x64x768xf32, #tpu.memory_space<vmem>>, vector<8x8x768xf32>
    %reshape3A_43 = vector.shape_cast %get3A_42 : vector<8x8x768xf32> to vector<64x768xf32>
    %swap3A_44 = arith.constant 2 : index
    %swap3A_45 = arith.constant 0 : index
    %swap3A_46 = arith.constant 0 : index
    %swap3A_47 = vector.load %arg11[%swap3A_44, %swap3A_45, %swap3A_46] : memref<8x64x768xf32, #tpu.memory_space<vmem>>, vector<1x64x768xf32>
    %swap3A_48 = vector.shape_cast %swap3A_47 : vector<1x64x768xf32> to vector<64x768xf32>
    %swap3A_49 = vector.shape_cast %reshape3A_43 : vector<64x768xf32> to vector<1x64x768xf32>
    tpu.vector_store %arg11[%swap3A_44, %swap3A_45, %swap3A_46], %swap3A_49 {strides = array<i32>} : memref<8x64x768xf32, #tpu.memory_space<vmem>>, vector<1x64x768xf32>,
    %get3A_50 = arith.constant 0 : index
    %get3A_51 = arith.constant 24 : index
    %get3A_52 = arith.constant 0 : index
    %get3A_53 = vector.load %arg10[%get3A_50, %get3A_51, %get3A_52] : memref<8x64x768xf32, #tpu.memory_space<vmem>>, vector<8x8x768xf32>
    %reshape3A_54 = vector.shape_cast %get3A_53 : vector<8x8x768xf32> to vector<64x768xf32>
    %swap3A_55 = arith.constant 3 : index
    %swap3A_56 = arith.constant 0 : index
    %swap3A_57 = arith.constant 0 : index
    %swap3A_58 = vector.load %arg11[%swap3A_55, %swap3A_56, %swap3A_57] : memref<8x64x768xf32, #tpu.memory_space<vmem>>, vector<1x64x768xf32>
    %swap3A_59 = vector.shape_cast %swap3A_58 : vector<1x64x768xf32> to vector<64x768xf32>
    %swap3A_60 = vector.shape_cast %reshape3A_54 : vector<64x768xf32> to vector<1x64x768xf32>
    tpu.vector_store %arg11[%swap3A_55, %swap3A_56, %swap3A_57], %swap3A_60 {strides = array<i32>} : memref<8x64x768xf32, #tpu.memory_space<vmem>>, vector<1x64x768xf32>,
    %get3A_61 = arith.constant 0 : index
    %get3A_62 = arith.constant 32 : index
    %get3A_63 = arith.constant 0 : index
    %get3A_64 = vector.load %arg10[%get3A_61, %get3A_62, %get3A_63] : memref<8x64x768xf32, #tpu.memory_space<vmem>>, vector<8x8x768xf32>
    %reshape3A_65 = vector.shape_cast %get3A_64 : vector<8x8x768xf32> to vector<64x768xf32>
    %swap3A_66 = arith.constant 4 : index
    %swap3A_67 = arith.constant 0 : index
    %swap3A_68 = arith.constant 0 : index
    %swap3A_69 = vector.load %arg11[%swap3A_66, %swap3A_67, %swap3A_68] : memref<8x64x768xf32, #tpu.memory_space<vmem>>, vector<1x64x768xf32>
    %swap3A_70 = vector.shape_cast %swap3A_69 : vector<1x64x768xf32> to vector<64x768xf32>
    %swap3A_71 = vector.shape_cast %reshape3A_65 : vector<64x768xf32> to vector<1x64x768xf32>
    tpu.vector_store %arg11[%swap3A_66, %swap3A_67, %swap3A_68], %swap3A_71 {strides = array<i32>} : memref<8x64x768xf32, #tpu.memory_space<vmem>>, vector<1x64x768xf32>,
    %get3A_72 = arith.constant 0 : index
    %get3A_73 = arith.constant 40 : index
    %get3A_74 = arith.constant 0 : index
    %get3A_75 = vector.load %arg10[%get3A_72, %get3A_73, %get3A_74] : memref<8x64x768xf32, #tpu.memory_space<vmem>>, vector<8x8x768xf32>
    %reshape3A_76 = vector.shape_cast %get3A_75 : vector<8x8x768xf32> to vector<64x768xf32>
    %swap3A_77 = arith.constant 5 : index
    %swap3A_78 = arith.constant 0 : index
    %swap3A_79 = arith.constant 0 : index
    %swap3A_80 = vector.load %arg11[%swap3A_77, %swap3A_78, %swap3A_79] : memref<8x64x768xf32, #tpu.memory_space<vmem>>, vector<1x64x768xf32>
    %swap3A_81 = vector.shape_cast %swap3A_80 : vector<1x64x768xf32> to vector<64x768xf32>
    %swap3A_82 = vector.shape_cast %reshape3A_76 : vector<64x768xf32> to vector<1x64x768xf32>
    tpu.vector_store %arg11[%swap3A_77, %swap3A_78, %swap3A_79], %swap3A_82 {strides = array<i32>} : memref<8x64x768xf32, #tpu.memory_space<vmem>>, vector<1x64x768xf32>,
    %get3A_83 = arith.constant 0 : index
    %get3A_84 = arith.constant 48 : index
    %get3A_85 = arith.constant 0 : index
    %get3A_86 = vector.load %arg10[%get3A_83, %get3A_84, %get3A_85] : memref<8x64x768xf32, #tpu.memory_space<vmem>>, vector<8x8x768xf32>
    %reshape3A_87 = vector.shape_cast %get3A_86 : vector<8x8x768xf32> to vector<64x768xf32>
    %swap3A_88 = arith.constant 6 : index
    %swap3A_89 = arith.constant 0 : index
    %swap3A_90 = arith.constant 0 : index
    %swap3A_91 = vector.load %arg11[%swap3A_88, %swap3A_89, %swap3A_90] : memref<8x64x768xf32, #tpu.memory_space<vmem>>, vector<1x64x768xf32>
    %swap3A_92 = vector.shape_cast %swap3A_91 : vector<1x64x768xf32> to vector<64x768xf32>
    %swap3A_93 = vector.shape_cast %reshape3A_87 : vector<64x768xf32> to vector<1x64x768xf32>
    tpu.vector_store %arg11[%swap3A_88, %swap3A_89, %swap3A_90], %swap3A_93 {strides = array<i32>} : memref<8x64x768xf32, #tpu.memory_space<vmem>>, vector<1x64x768xf32>,
    %get3A_94 = arith.constant 0 : index
    %get3A_95 = arith.constant 56 : index
    %get3A_96 = arith.constant 0 : index
    %get3A_97 = vector.load %arg10[%get3A_94, %get3A_95, %get3A_96] : memref<8x64x768xf32, #tpu.memory_space<vmem>>, vector<8x8x768xf32>
    %reshape3A_98 = vector.shape_cast %get3A_97 : vector<8x8x768xf32> to vector<64x768xf32>
    %swap3A_99 = arith.constant 7 : index
    %swap3A_100 = arith.constant 0 : index
    %swap3A_101 = arith.constant 0 : index
    %swap3A_102 = vector.load %arg11[%swap3A_99, %swap3A_100, %swap3A_101] : memref<8x64x768xf32, #tpu.memory_space<vmem>>, vector<1x64x768xf32>
    %swap3A_103 = vector.shape_cast %swap3A_102 : vector<1x64x768xf32> to vector<64x768xf32>
    %swap3A_104 = vector.shape_cast %reshape3A_98 : vector<64x768xf32> to vector<1x64x768xf32>
    tpu.vector_store %arg11[%swap3A_99, %swap3A_100, %swap3A_101], %swap3A_104 {strides = array<i32>} : memref<8x64x768xf32, #tpu.memory_space<vmem>>, vector<1x64x768xf32>,
    %get3A_105 = arith.constant 0 : index
    %get3A_106 = arith.constant 0 : index
    %get3A_107 = arith.constant 0 : index
    %get3A_108 = vector.load %arg11[%get3A_105, %get3A_106, %get3A_107] : memref<8x64x768xf32, #tpu.memory_space<vmem>>, vector<8x64x768xf32>
    %reshape3A_109 = vector.shape_cast %get3A_108 : vector<8x64x768xf32> to vector<512x768xf32>
    %get3A_110 = arith.constant 0 : index
    %get3A_111 = arith.constant 0 : index
    %get3A_112 = vector.load %arg5[%get3A_110, %get3A_111] : memref<512x512xf32, #tpu.memory_space<vmem>>, vector<512x512xf32>
    %slice3A_113 = vector.extract_strided_slice %reshape3A_109 {offsets = [0, 0], sizes = [512, 32], strides = [1, 1]} : vector<512x768xf32> to vector<512x32xf32>
    %mul3A_114 = arith.constant 0.176776692 : f32
    %mul3A_115 = vector.broadcast %mul3A_114 : f32 to vector<512x32xf32>
    %mul3A_116 = arith.mulf %slice3A_113, %mul3A_115 : vector<512x32xf32>
    %convert_element_type3A = arith.truncf %mul3A_116 : vector<512x32xf32> to vector<512x32xbf16>
    %slice3A_117 = vector.extract_strided_slice %reshape3A_109 {offsets = [0, 256], sizes = [512, 32], strides = [1, 1]} : vector<512x768xf32> to vector<512x32xf32>
    %convert_element_type3A_118 = arith.truncf %slice3A_117 : vector<512x32xf32> to vector<512x32xbf16>
    %slice3A_119 = vector.extract_strided_slice %reshape3A_109 {offsets = [0, 512], sizes = [512, 32], strides = [1, 1]} : vector<512x768xf32> to vector<512x32xf32>
    %convert_element_type3A_120 = arith.truncf %slice3A_119 : vector<512x32xf32> to vector<512x32xbf16>
    %dot_general3A_121 = arith.constant dense<0.000000e+00> : vector<512x512xf32>
    %dot_general3A_122 = tpu.matmul %convert_element_type3A, %convert_element_type3A_118, %dot_general3A_121 {dimension_numbers = #tpu.dot_dimension_numbers<[1], [1], [0], [0], [0, 0, 1, 0], [], []>, transpose_lhs_hint = false} : vector<512x32xbf16>, vector<512x32xbf16>, vector<512x512xf32> -> vector<512x512xf32>
    %add3A_123 = arith.addf %dot_general3A_122, %get3A_112 : vector<512x512xf32>
    %reduce_max3A = arith.constant dense<0xFF800000> : vector<512xf32>
    %reduce_max3A_124 = vector.multi_reduction <maximumf>, %add3A_123, %reduce_max3A [1] : vector<512x512xf32> to vector<512xf32>
    %broadcast_in_dim3A = vector.shape_cast %reduce_max3A_124 : vector<512xf32> to vector<512x1xf32>
    %sub3A = vector.broadcast %broadcast_in_dim3A : vector<512x1xf32> to vector<512x512xf32>
    %sub3A_125 = arith.subf %add3A_123, %sub3A : vector<512x512xf32>
    %exp3A = math.exp %sub3A_125 : vector<512x512xf32>
    %reduce_sum3A = arith.constant dense<0.000000e+00> : vector<512xf32>
    %reduce_sum3A_126 = vector.multi_reduction <add>, %exp3A, %reduce_sum3A [1] : vector<512x512xf32> to vector<512xf32>
    %broadcast_in_dim3A_127 = vector.shape_cast %reduce_sum3A_126 : vector<512xf32> to vector<512x1xf32>
    %div3A = vector.broadcast %broadcast_in_dim3A_127 : vector<512x1xf32> to vector<512x512xf32>
    %div3A_128 = arith.divf %exp3A, %div3A : vector<512x512xf32>
    %convert_element_type3A_129 = arith.truncf %div3A_128 : vector<512x512xf32> to vector<512x512xbf16>
    %dot_general3A_130 = arith.constant dense<0.000000e+00> : vector<512x32xf32>
    %dot_general3A_131 = tpu.matmul %convert_element_type3A_129, %convert_element_type3A_120, %dot_general3A_130 {dimension_numbers = #tpu.dot_dimension_numbers<[1], [0], [0], [1], [0, 0, 1, 1], [], []>, transpose_lhs_hint = false} : vector<512x512xbf16>, vector<512x32xbf16>, vector<512x32xf32> -> vector<512x32xf32>
    %slice3A_132 = vector.extract_strided_slice %reshape3A_109 {offsets = [0, 32], sizes = [512, 32], strides = [1, 1]} : vector<512x768xf32> to vector<512x32xf32>
    %mul3A_133 = arith.constant 0.176776692 : f32
    %mul3A_134 = vector.broadcast %mul3A_133 : f32 to vector<512x32xf32>
    %mul3A_135 = arith.mulf %slice3A_132, %mul3A_134 : vector<512x32xf32>
    %convert_element_type3A_136 = arith.truncf %mul3A_135 : vector<512x32xf32> to vector<512x32xbf16>
    %slice3A_137 = vector.extract_strided_slice %reshape3A_109 {offsets = [0, 288], sizes = [512, 32], strides = [1, 1]} : vector<512x768xf32> to vector<512x32xf32>
    %convert_element_type3A_138 = arith.truncf %slice3A_137 : vector<512x32xf32> to vector<512x32xbf16>
    %slice3A_139 = vector.extract_strided_slice %reshape3A_109 {offsets = [0, 544], sizes = [512, 32], strides = [1, 1]} : vector<512x768xf32> to vector<512x32xf32>
    %convert_element_type3A_140 = arith.truncf %slice3A_139 : vector<512x32xf32> to vector<512x32xbf16>
    %dot_general3A_141 = arith.constant dense<0.000000e+00> : vector<512x512xf32>
    %dot_general3A_142 = tpu.matmul %convert_element_type3A_136, %convert_element_type3A_138, %dot_general3A_141 {dimension_numbers = #tpu.dot_dimension_numbers<[1], [1], [0], [0], [0, 0, 1, 0], [], []>, transpose_lhs_hint = false} : vector<512x32xbf16>, vector<512x32xbf16>, vector<512x512xf32> -> vector<512x512xf32>
    %add3A_143 = arith.addf %dot_general3A_142, %get3A_112 : vector<512x512xf32>
    %reduce_max3A_144 = arith.constant dense<0xFF800000> : vector<512xf32>
    %reduce_max3A_145 = vector.multi_reduction <maximumf>, %add3A_143, %reduce_max3A_144 [1] : vector<512x512xf32> to vector<512xf32>
    %broadcast_in_dim3A_146 = vector.shape_cast %reduce_max3A_145 : vector<512xf32> to vector<512x1xf32>
    %sub3A_147 = vector.broadcast %broadcast_in_dim3A_146 : vector<512x1xf32> to vector<512x512xf32>
    %sub3A_148 = arith.subf %add3A_143, %sub3A_147 : vector<512x512xf32>
    %exp3A_149 = math.exp %sub3A_148 : vector<512x512xf32>
    %reduce_sum3A_150 = arith.constant dense<0.000000e+00> : vector<512xf32>
    %reduce_sum3A_151 = vector.multi_reduction <add>, %exp3A_149, %reduce_sum3A_150 [1] : vector<512x512xf32> to vector<512xf32>
    %broadcast_in_dim3A_152 = vector.shape_cast %reduce_sum3A_151 : vector<512xf32> to vector<512x1xf32>
    %div3A_153 = vector.broadcast %broadcast_in_dim3A_152 : vector<512x1xf32> to vector<512x512xf32>
    %div3A_154 = arith.divf %exp3A_149, %div3A_153 : vector<512x512xf32>
    %convert_element_type3A_155 = arith.truncf %div3A_154 : vector<512x512xf32> to vector<512x512xbf16>
    %dot_general3A_156 = arith.constant dense<0.000000e+00> : vector<512x32xf32>
    %dot_general3A_157 = tpu.matmul %convert_element_type3A_155, %convert_element_type3A_140, %dot_general3A_156 {dimension_numbers = #tpu.dot_dimension_numbers<[1], [0], [0], [1], [0, 0, 1, 1], [], []>, transpose_lhs_hint = false} : vector<512x512xbf16>, vector<512x32xbf16>, vector<512x32xf32> -> vector<512x32xf32>
    %slice3A_158 = vector.extract_strided_slice %reshape3A_109 {offsets = [0, 64], sizes = [512, 32], strides = [1, 1]} : vector<512x768xf32> to vector<512x32xf32>
    %mul3A_159 = arith.constant 0.176776692 : f32
    %mul3A_160 = vector.broadcast %mul3A_159 : f32 to vector<512x32xf32>
    %mul3A_161 = arith.mulf %slice3A_158, %mul3A_160 : vector<512x32xf32>
    %convert_element_type3A_162 = arith.truncf %mul3A_161 : vector<512x32xf32> to vector<512x32xbf16>
    %slice3A_163 = vector.extract_strided_slice %reshape3A_109 {offsets = [0, 320], sizes = [512, 32], strides = [1, 1]} : vector<512x768xf32> to vector<512x32xf32>
    %convert_element_type3A_164 = arith.truncf %slice3A_163 : vector<512x32xf32> to vector<512x32xbf16>
    %slice3A_165 = vector.extract_strided_slice %reshape3A_109 {offsets = [0, 576], sizes = [512, 32], strides = [1, 1]} : vector<512x768xf32> to vector<512x32xf32>
    %convert_element_type3A_166 = arith.truncf %slice3A_165 : vector<512x32xf32> to vector<512x32xbf16>
    %dot_general3A_167 = arith.constant dense<0.000000e+00> : vector<512x512xf32>
    %dot_general3A_168 = tpu.matmul %convert_element_type3A_162, %convert_element_type3A_164, %dot_general3A_167 {dimension_numbers = #tpu.dot_dimension_numbers<[1], [1], [0], [0], [0, 0, 1, 0], [], []>, transpose_lhs_hint = false} : vector<512x32xbf16>, vector<512x32xbf16>, vector<512x512xf32> -> vector<512x512xf32>
    %add3A_169 = arith.addf %dot_general3A_168, %get3A_112 : vector<512x512xf32>
    %reduce_max3A_170 = arith.constant dense<0xFF800000> : vector<512xf32>
    %reduce_max3A_171 = vector.multi_reduction <maximumf>, %add3A_169, %reduce_max3A_170 [1] : vector<512x512xf32> to vector<512xf32>
    %broadcast_in_dim3A_172 = vector.shape_cast %reduce_max3A_171 : vector<512xf32> to vector<512x1xf32>
    %sub3A_173 = vector.broadcast %broadcast_in_dim3A_172 : vector<512x1xf32> to vector<512x512xf32>
    %sub3A_174 = arith.subf %add3A_169, %sub3A_173 : vector<512x512xf32>
    %exp3A_175 = math.exp %sub3A_174 : vector<512x512xf32>
    %reduce_sum3A_176 = arith.constant dense<0.000000e+00> : vector<512xf32>
    %reduce_sum3A_177 = vector.multi_reduction <add>, %exp3A_175, %reduce_sum3A_176 [1] : vector<512x512xf32> to vector<512xf32>
    %broadcast_in_dim3A_178 = vector.shape_cast %reduce_sum3A_177 : vector<512xf32> to vector<512x1xf32>
    %div3A_179 = vector.broadcast %broadcast_in_dim3A_178 : vector<512x1xf32> to vector<512x512xf32>
    %div3A_180 = arith.divf %exp3A_175, %div3A_179 : vector<512x512xf32>
    %convert_element_type3A_181 = arith.truncf %div3A_180 : vector<512x512xf32> to vector<512x512xbf16>
    %dot_general3A_182 = arith.constant dense<0.000000e+00> : vector<512x32xf32>
    %dot_general3A_183 = tpu.matmul %convert_element_type3A_181, %convert_element_type3A_166, %dot_general3A_182 {dimension_numbers = #tpu.dot_dimension_numbers<[1], [0], [0], [1], [0, 0, 1, 1], [], []>, transpose_lhs_hint = false} : vector<512x512xbf16>, vector<512x32xbf16>, vector<512x32xf32> -> vector<512x32xf32>
    %slice3A_184 = vector.extract_strided_slice %reshape3A_109 {offsets = [0, 96], sizes = [512, 32], strides = [1, 1]} : vector<512x768xf32> to vector<512x32xf32>
    %mul3A_185 = arith.constant 0.176776692 : f32
    %mul3A_186 = vector.broadcast %mul3A_185 : f32 to vector<512x32xf32>
    %mul3A_187 = arith.mulf %slice3A_184, %mul3A_186 : vector<512x32xf32>
    %convert_element_type3A_188 = arith.truncf %mul3A_187 : vector<512x32xf32> to vector<512x32xbf16>
    %slice3A_189 = vector.extract_strided_slice %reshape3A_109 {offsets = [0, 352], sizes = [512, 32], strides = [1, 1]} : vector<512x768xf32> to vector<512x32xf32>
    %convert_element_type3A_190 = arith.truncf %slice3A_189 : vector<512x32xf32> to vector<512x32xbf16>
    %slice3A_191 = vector.extract_strided_slice %reshape3A_109 {offsets = [0, 608], sizes = [512, 32], strides = [1, 1]} : vector<512x768xf32> to vector<512x32xf32>
    %convert_element_type3A_192 = arith.truncf %slice3A_191 : vector<512x32xf32> to vector<512x32xbf16>
    %dot_general3A_193 = arith.constant dense<0.000000e+00> : vector<512x512xf32>
    %dot_general3A_194 = tpu.matmul %convert_element_type3A_188, %convert_element_type3A_190, %dot_general3A_193 {dimension_numbers = #tpu.dot_dimension_numbers<[1], [1], [0], [0], [0, 0, 1, 0], [], []>, transpose_lhs_hint = false} : vector<512x32xbf16>, vector<512x32xbf16>, vector<512x512xf32> -> vector<512x512xf32>
    %add3A_195 = arith.addf %dot_general3A_194, %get3A_112 : vector<512x512xf32>
    %reduce_max3A_196 = arith.constant dense<0xFF800000> : vector<512xf32>
    %reduce_max3A_197 = vector.multi_reduction <maximumf>, %add3A_195, %reduce_max3A_196 [1] : vector<512x512xf32> to vector<512xf32>
    %broadcast_in_dim3A_198 = vector.shape_cast %reduce_max3A_197 : vector<512xf32> to vector<512x1xf32>
    %sub3A_199 = vector.broadcast %broadcast_in_dim3A_198 : vector<512x1xf32> to vector<512x512xf32>
    %sub3A_200 = arith.subf %add3A_195, %sub3A_199 : vector<512x512xf32>
    %exp3A_201 = math.exp %sub3A_200 : vector<512x512xf32>
    %reduce_sum3A_202 = arith.constant dense<0.000000e+00> : vector<512xf32>
    %reduce_sum3A_203 = vector.multi_reduction <add>, %exp3A_201, %reduce_sum3A_202 [1] : vector<512x512xf32> to vector<512xf32>
    %broadcast_in_dim3A_204 = vector.shape_cast %reduce_sum3A_203 : vector<512xf32> to vector<512x1xf32>
    %div3A_205 = vector.broadcast %broadcast_in_dim3A_204 : vector<512x1xf32> to vector<512x512xf32>
    %div3A_206 = arith.divf %exp3A_201, %div3A_205 : vector<512x512xf32>
    %convert_element_type3A_207 = arith.truncf %div3A_206 : vector<512x512xf32> to vector<512x512xbf16>
    %dot_general3A_208 = arith.constant dense<0.000000e+00> : vector<512x32xf32>
    %dot_general3A_209 = tpu.matmul %convert_element_type3A_207, %convert_element_type3A_192, %dot_general3A_208 {dimension_numbers = #tpu.dot_dimension_numbers<[1], [0], [0], [1], [0, 0, 1, 1], [], []>, transpose_lhs_hint = false} : vector<512x512xbf16>, vector<512x32xbf16>, vector<512x32xf32> -> vector<512x32xf32>
    %slice3A_210 = vector.extract_strided_slice %reshape3A_109 {offsets = [0, 128], sizes = [512, 32], strides = [1, 1]} : vector<512x768xf32> to vector<512x32xf32>
    %mul3A_211 = arith.constant 0.176776692 : f32
    %mul3A_212 = vector.broadcast %mul3A_211 : f32 to vector<512x32xf32>
    %mul3A_213 = arith.mulf %slice3A_210, %mul3A_212 : vector<512x32xf32>
    %convert_element_type3A_214 = arith.truncf %mul3A_213 : vector<512x32xf32> to vector<512x32xbf16>
    %slice3A_215 = vector.extract_strided_slice %reshape3A_109 {offsets = [0, 384], sizes = [512, 32], strides = [1, 1]} : vector<512x768xf32> to vector<512x32xf32>
    %convert_element_type3A_216 = arith.truncf %slice3A_215 : vector<512x32xf32> to vector<512x32xbf16>
    %slice3A_217 = vector.extract_strided_slice %reshape3A_109 {offsets = [0, 640], sizes = [512, 32], strides = [1, 1]} : vector<512x768xf32> to vector<512x32xf32>
    %convert_element_type3A_218 = arith.truncf %slice3A_217 : vector<512x32xf32> to vector<512x32xbf16>
    %dot_general3A_219 = arith.constant dense<0.000000e+00> : vector<512x512xf32>
    %dot_general3A_220 = tpu.matmul %convert_element_type3A_214, %convert_element_type3A_216, %dot_general3A_219 {dimension_numbers = #tpu.dot_dimension_numbers<[1], [1], [0], [0], [0, 0, 1, 0], [], []>, transpose_lhs_hint = false} : vector<512x32xbf16>, vector<512x32xbf16>, vector<512x512xf32> -> vector<512x512xf32>
    %add3A_221 = arith.addf %dot_general3A_220, %get3A_112 : vector<512x512xf32>
    %reduce_max3A_222 = arith.constant dense<0xFF800000> : vector<512xf32>
    %reduce_max3A_223 = vector.multi_reduction <maximumf>, %add3A_221, %reduce_max3A_222 [1] : vector<512x512xf32> to vector<512xf32>
    %broadcast_in_dim3A_224 = vector.shape_cast %reduce_max3A_223 : vector<512xf32> to vector<512x1xf32>
    %sub3A_225 = vector.broadcast %broadcast_in_dim3A_224 : vector<512x1xf32> to vector<512x512xf32>
    %sub3A_226 = arith.subf %add3A_221, %sub3A_225 : vector<512x512xf32>
    %exp3A_227 = math.exp %sub3A_226 : vector<512x512xf32>
    %reduce_sum3A_228 = arith.constant dense<0.000000e+00> : vector<512xf32>
    %reduce_sum3A_229 = vector.multi_reduction <add>, %exp3A_227, %reduce_sum3A_228 [1] : vector<512x512xf32> to vector<512xf32>
    %broadcast_in_dim3A_230 = vector.shape_cast %reduce_sum3A_229 : vector<512xf32> to vector<512x1xf32>
    %div3A_231 = vector.broadcast %broadcast_in_dim3A_230 : vector<512x1xf32> to vector<512x512xf32>
    %div3A_232 = arith.divf %exp3A_227, %div3A_231 : vector<512x512xf32>
    %convert_element_type3A_233 = arith.truncf %div3A_232 : vector<512x512xf32> to vector<512x512xbf16>
    %dot_general3A_234 = arith.constant dense<0.000000e+00> : vector<512x32xf32>
    %dot_general3A_235 = tpu.matmul %convert_element_type3A_233, %convert_element_type3A_218, %dot_general3A_234 {dimension_numbers = #tpu.dot_dimension_numbers<[1], [0], [0], [1], [0, 0, 1, 1], [], []>, transpose_lhs_hint = false} : vector<512x512xbf16>, vector<512x32xbf16>, vector<512x32xf32> -> vector<512x32xf32>
    %slice3A_236 = vector.extract_strided_slice %reshape3A_109 {offsets = [0, 160], sizes = [512, 32], strides = [1, 1]} : vector<512x768xf32> to vector<512x32xf32>
    %mul3A_237 = arith.constant 0.176776692 : f32
    %mul3A_238 = vector.broadcast %mul3A_237 : f32 to vector<512x32xf32>
    %mul3A_239 = arith.mulf %slice3A_236, %mul3A_238 : vector<512x32xf32>
    %convert_element_type3A_240 = arith.truncf %mul3A_239 : vector<512x32xf32> to vector<512x32xbf16>
    %slice3A_241 = vector.extract_strided_slice %reshape3A_109 {offsets = [0, 416], sizes = [512, 32], strides = [1, 1]} : vector<512x768xf32> to vector<512x32xf32>
    %convert_element_type3A_242 = arith.truncf %slice3A_241 : vector<512x32xf32> to vector<512x32xbf16>
    %slice3A_243 = vector.extract_strided_slice %reshape3A_109 {offsets = [0, 672], sizes = [512, 32], strides = [1, 1]} : vector<512x768xf32> to vector<512x32xf32>
    %convert_element_type3A_244 = arith.truncf %slice3A_243 : vector<512x32xf32> to vector<512x32xbf16>
    %dot_general3A_245 = arith.constant dense<0.000000e+00> : vector<512x512xf32>
    %dot_general3A_246 = tpu.matmul %convert_element_type3A_240, %convert_element_type3A_242, %dot_general3A_245 {dimension_numbers = #tpu.dot_dimension_numbers<[1], [1], [0], [0], [0, 0, 1, 0], [], []>, transpose_lhs_hint = false} : vector<512x32xbf16>, vector<512x32xbf16>, vector<512x512xf32> -> vector<512x512xf32>
    %add3A_247 = arith.addf %dot_general3A_246, %get3A_112 : vector<512x512xf32>
    %reduce_max3A_248 = arith.constant dense<0xFF800000> : vector<512xf32>
    %reduce_max3A_249 = vector.multi_reduction <maximumf>, %add3A_247, %reduce_max3A_248 [1] : vector<512x512xf32> to vector<512xf32>
    %broadcast_in_dim3A_250 = vector.shape_cast %reduce_max3A_249 : vector<512xf32> to vector<512x1xf32>
    %sub3A_251 = vector.broadcast %broadcast_in_dim3A_250 : vector<512x1xf32> to vector<512x512xf32>
    %sub3A_252 = arith.subf %add3A_247, %sub3A_251 : vector<512x512xf32>
    %exp3A_253 = math.exp %sub3A_252 : vector<512x512xf32>
    %reduce_sum3A_254 = arith.constant dense<0.000000e+00> : vector<512xf32>
    %reduce_sum3A_255 = vector.multi_reduction <add>, %exp3A_253, %reduce_sum3A_254 [1] : vector<512x512xf32> to vector<512xf32>
    %broadcast_in_dim3A_256 = vector.shape_cast %reduce_sum3A_255 : vector<512xf32> to vector<512x1xf32>
    %div3A_257 = vector.broadcast %broadcast_in_dim3A_256 : vector<512x1xf32> to vector<512x512xf32>
    %div3A_258 = arith.divf %exp3A_253, %div3A_257 : vector<512x512xf32>
    %convert_element_type3A_259 = arith.truncf %div3A_258 : vector<512x512xf32> to vector<512x512xbf16>
    %dot_general3A_260 = arith.constant dense<0.000000e+00> : vector<512x32xf32>
    %dot_general3A_261 = tpu.matmul %convert_element_type3A_259, %convert_element_type3A_244, %dot_general3A_260 {dimension_numbers = #tpu.dot_dimension_numbers<[1], [0], [0], [1], [0, 0, 1, 1], [], []>, transpose_lhs_hint = false} : vector<512x512xbf16>, vector<512x32xbf16>, vector<512x32xf32> -> vector<512x32xf32>
    %slice3A_262 = vector.extract_strided_slice %reshape3A_109 {offsets = [0, 192], sizes = [512, 32], strides = [1, 1]} : vector<512x768xf32> to vector<512x32xf32>
    %mul3A_263 = arith.constant 0.176776692 : f32
    %mul3A_264 = vector.broadcast %mul3A_263 : f32 to vector<512x32xf32>
    %mul3A_265 = arith.mulf %slice3A_262, %mul3A_264 : vector<512x32xf32>
    %convert_element_type3A_266 = arith.truncf %mul3A_265 : vector<512x32xf32> to vector<512x32xbf16>
    %slice3A_267 = vector.extract_strided_slice %reshape3A_109 {offsets = [0, 448], sizes = [512, 32], strides = [1, 1]} : vector<512x768xf32> to vector<512x32xf32>
    %convert_element_type3A_268 = arith.truncf %slice3A_267 : vector<512x32xf32> to vector<512x32xbf16>
    %slice3A_269 = vector.extract_strided_slice %reshape3A_109 {offsets = [0, 704], sizes = [512, 32], strides = [1, 1]} : vector<512x768xf32> to vector<512x32xf32>
    %convert_element_type3A_270 = arith.truncf %slice3A_269 : vector<512x32xf32> to vector<512x32xbf16>
    %dot_general3A_271 = arith.constant dense<0.000000e+00> : vector<512x512xf32>
    %dot_general3A_272 = tpu.matmul %convert_element_type3A_266, %convert_element_type3A_268, %dot_general3A_271 {dimension_numbers = #tpu.dot_dimension_numbers<[1], [1], [0], [0], [0, 0, 1, 0], [], []>, transpose_lhs_hint = false} : vector<512x32xbf16>, vector<512x32xbf16>, vector<512x512xf32> -> vector<512x512xf32>
    %add3A_273 = arith.addf %dot_general3A_272, %get3A_112 : vector<512x512xf32>
    %reduce_max3A_274 = arith.constant dense<0xFF800000> : vector<512xf32>
    %reduce_max3A_275 = vector.multi_reduction <maximumf>, %add3A_273, %reduce_max3A_274 [1] : vector<512x512xf32> to vector<512xf32>
    %broadcast_in_dim3A_276 = vector.shape_cast %reduce_max3A_275 : vector<512xf32> to vector<512x1xf32>
    %sub3A_277 = vector.broadcast %broadcast_in_dim3A_276 : vector<512x1xf32> to vector<512x512xf32>
    %sub3A_278 = arith.subf %add3A_273, %sub3A_277 : vector<512x512xf32>
    %exp3A_279 = math.exp %sub3A_278 : vector<512x512xf32>
    %reduce_sum3A_280 = arith.constant dense<0.000000e+00> : vector<512xf32>
    %reduce_sum3A_281 = vector.multi_reduction <add>, %exp3A_279, %reduce_sum3A_280 [1] : vector<512x512xf32> to vector<512xf32>
    %broadcast_in_dim3A_282 = vector.shape_cast %reduce_sum3A_281 : vector<512xf32> to vector<512x1xf32>
    %div3A_283 = vector.broadcast %broadcast_in_dim3A_282 : vector<512x1xf32> to vector<512x512xf32>
    %div3A_284 = arith.divf %exp3A_279, %div3A_283 : vector<512x512xf32>
    %convert_element_type3A_285 = arith.truncf %div3A_284 : vector<512x512xf32> to vector<512x512xbf16>
    %dot_general3A_286 = arith.constant dense<0.000000e+00> : vector<512x32xf32>
    %dot_general3A_287 = tpu.matmul %convert_element_type3A_285, %convert_element_type3A_270, %dot_general3A_286 {dimension_numbers = #tpu.dot_dimension_numbers<[1], [0], [0], [1], [0, 0, 1, 1], [], []>, transpose_lhs_hint = false} : vector<512x512xbf16>, vector<512x32xbf16>, vector<512x32xf32> -> vector<512x32xf32>
    %slice3A_288 = vector.extract_strided_slice %reshape3A_109 {offsets = [0, 224], sizes = [512, 32], strides = [1, 1]} : vector<512x768xf32> to vector<512x32xf32>
    %mul3A_289 = arith.constant 0.176776692 : f32
    %mul3A_290 = vector.broadcast %mul3A_289 : f32 to vector<512x32xf32>
    %mul3A_291 = arith.mulf %slice3A_288, %mul3A_290 : vector<512x32xf32>
    %convert_element_type3A_292 = arith.truncf %mul3A_291 : vector<512x32xf32> to vector<512x32xbf16>
    %slice3A_293 = vector.extract_strided_slice %reshape3A_109 {offsets = [0, 480], sizes = [512, 32], strides = [1, 1]} : vector<512x768xf32> to vector<512x32xf32>
    %convert_element_type3A_294 = arith.truncf %slice3A_293 : vector<512x32xf32> to vector<512x32xbf16>
    %slice3A_295 = vector.extract_strided_slice %reshape3A_109 {offsets = [0, 736], sizes = [512, 32], strides = [1, 1]} : vector<512x768xf32> to vector<512x32xf32>
    %convert_element_type3A_296 = arith.truncf %slice3A_295 : vector<512x32xf32> to vector<512x32xbf16>
    %dot_general3A_297 = arith.constant dense<0.000000e+00> : vector<512x512xf32>
    %dot_general3A_298 = tpu.matmul %convert_element_type3A_292, %convert_element_type3A_294, %dot_general3A_297 {dimension_numbers = #tpu.dot_dimension_numbers<[1], [1], [0], [0], [0, 0, 1, 0], [], []>, transpose_lhs_hint = false} : vector<512x32xbf16>, vector<512x32xbf16>, vector<512x512xf32> -> vector<512x512xf32>
    %add3A_299 = arith.addf %dot_general3A_298, %get3A_112 : vector<512x512xf32>
    %reduce_max3A_300 = arith.constant dense<0xFF800000> : vector<512xf32>
    %reduce_max3A_301 = vector.multi_reduction <maximumf>, %add3A_299, %reduce_max3A_300 [1] : vector<512x512xf32> to vector<512xf32>
    %broadcast_in_dim3A_302 = vector.shape_cast %reduce_max3A_301 : vector<512xf32> to vector<512x1xf32>
    %sub3A_303 = vector.broadcast %broadcast_in_dim3A_302 : vector<512x1xf32> to vector<512x512xf32>
    %sub3A_304 = arith.subf %add3A_299, %sub3A_303 : vector<512x512xf32>
    %exp3A_305 = math.exp %sub3A_304 : vector<512x512xf32>
    %reduce_sum3A_306 = arith.constant dense<0.000000e+00> : vector<512xf32>
    %reduce_sum3A_307 = vector.multi_reduction <add>, %exp3A_305, %reduce_sum3A_306 [1] : vector<512x512xf32> to vector<512xf32>
    %broadcast_in_dim3A_308 = vector.shape_cast %reduce_sum3A_307 : vector<512xf32> to vector<512x1xf32>
    %div3A_309 = vector.broadcast %broadcast_in_dim3A_308 : vector<512x1xf32> to vector<512x512xf32>
    %div3A_310 = arith.divf %exp3A_305, %div3A_309 : vector<512x512xf32>
    %convert_element_type3A_311 = arith.truncf %div3A_310 : vector<512x512xf32> to vector<512x512xbf16>
    %dot_general3A_312 = arith.constant dense<0.000000e+00> : vector<512x32xf32>
    %dot_general3A_313 = tpu.matmul %convert_element_type3A_311, %convert_element_type3A_296, %dot_general3A_312 {dimension_numbers = #tpu.dot_dimension_numbers<[1], [0], [0], [1], [0, 0, 1, 1], [], []>, transpose_lhs_hint = false} : vector<512x512xbf16>, vector<512x32xbf16>, vector<512x32xf32> -> vector<512x32xf32>
    %concatenate3A_314 = tpu.concatenate %dot_general3A_131, %dot_general3A_157, %dot_general3A_183, %dot_general3A_209, %dot_general3A_235, %dot_general3A_261, %dot_general3A_287, %dot_general3A_313 in 1 : vector<512x32xf32>, vector<512x32xf32>, vector<512x32xf32>, vector<512x32xf32>, vector<512x32xf32>, vector<512x32xf32>, vector<512x32xf32>, vector<512x32xf32> -> vector<512x256xf32>
    %slice3A_315 = vector.extract_strided_slice %concatenate3A_314 {offsets = [0, 0], sizes = [64, 256], strides = [1, 1]} : vector<512x256xf32> to vector<64x256xf32>
    %reshape3A_316 = vector.shape_cast %slice3A_315 : vector<64x256xf32> to vector<8x8x256xf32>
    %swap3A_317 = arith.constant 0 : index
    %swap3A_318 = arith.constant 0 : index
    %swap3A_319 = arith.constant 0 : index
    %swap3A_320 = vector.load %arg12[%swap3A_317, %swap3A_318, %swap3A_319] : memref<8x64x256xf32, #tpu.memory_space<vmem>>, vector<8x8x256xf32>
    tpu.vector_store %arg12[%swap3A_317, %swap3A_318, %swap3A_319], %reshape3A_316 {strides = array<i32>} : memref<8x64x256xf32, #tpu.memory_space<vmem>>, vector<8x8x256xf32>,
    %slice3A_321 = vector.extract_strided_slice %concatenate3A_314 {offsets = [64, 0], sizes = [64, 256], strides = [1, 1]} : vector<512x256xf32> to vector<64x256xf32>
    %reshape3A_322 = vector.shape_cast %slice3A_321 : vector<64x256xf32> to vector<8x8x256xf32>
    %swap3A_323 = arith.constant 0 : index
    %swap3A_324 = arith.constant 8 : index
    %swap3A_325 = arith.constant 0 : index
    %swap3A_326 = vector.load %arg12[%swap3A_323, %swap3A_324, %swap3A_325] : memref<8x64x256xf32, #tpu.memory_space<vmem>>, vector<8x8x256xf32>
    tpu.vector_store %arg12[%swap3A_323, %swap3A_324, %swap3A_325], %reshape3A_322 {strides = array<i32>} : memref<8x64x256xf32, #tpu.memory_space<vmem>>, vector<8x8x256xf32>,
    %slice3A_327 = vector.extract_strided_slice %concatenate3A_314 {offsets = [128, 0], sizes = [64, 256], strides = [1, 1]} : vector<512x256xf32> to vector<64x256xf32>
    %reshape3A_328 = vector.shape_cast %slice3A_327 : vector<64x256xf32> to vector<8x8x256xf32>
    %swap3A_329 = arith.constant 0 : index
    %swap3A_330 = arith.constant 16 : index
    %swap3A_331 = arith.constant 0 : index
    %swap3A_332 = vector.load %arg12[%swap3A_329, %swap3A_330, %swap3A_331] : memref<8x64x256xf32, #tpu.memory_space<vmem>>, vector<8x8x256xf32>
    tpu.vector_store %arg12[%swap3A_329, %swap3A_330, %swap3A_331], %reshape3A_328 {strides = array<i32>} : memref<8x64x256xf32, #tpu.memory_space<vmem>>, vector<8x8x256xf32>,
    %slice3A_333 = vector.extract_strided_slice %concatenate3A_314 {offsets = [192, 0], sizes = [64, 256], strides = [1, 1]} : vector<512x256xf32> to vector<64x256xf32>
    %reshape3A_334 = vector.shape_cast %slice3A_333 : vector<64x256xf32> to vector<8x8x256xf32>
    %swap3A_335 = arith.constant 0 : index
    %swap3A_336 = arith.constant 24 : index
    %swap3A_337 = arith.constant 0 : index
    %swap3A_338 = vector.load %arg12[%swap3A_335, %swap3A_336, %swap3A_337] : memref<8x64x256xf32, #tpu.memory_space<vmem>>, vector<8x8x256xf32>
    tpu.vector_store %arg12[%swap3A_335, %swap3A_336, %swap3A_337], %reshape3A_334 {strides = array<i32>} : memref<8x64x256xf32, #tpu.memory_space<vmem>>, vector<8x8x256xf32>,
    %slice3A_339 = vector.extract_strided_slice %concatenate3A_314 {offsets = [256, 0], sizes = [64, 256], strides = [1, 1]} : vector<512x256xf32> to vector<64x256xf32>
    %reshape3A_340 = vector.shape_cast %slice3A_339 : vector<64x256xf32> to vector<8x8x256xf32>
    %swap3A_341 = arith.constant 0 : index
    %swap3A_342 = arith.constant 32 : index
    %swap3A_343 = arith.constant 0 : index
    %swap3A_344 = vector.load %arg12[%swap3A_341, %swap3A_342, %swap3A_343] : memref<8x64x256xf32, #tpu.memory_space<vmem>>, vector<8x8x256xf32>
    tpu.vector_store %arg12[%swap3A_341, %swap3A_342, %swap3A_343], %reshape3A_340 {strides = array<i32>} : memref<8x64x256xf32, #tpu.memory_space<vmem>>, vector<8x8x256xf32>,
    %slice3A_345 = vector.extract_strided_slice %concatenate3A_314 {offsets = [320, 0], sizes = [64, 256], strides = [1, 1]} : vector<512x256xf32> to vector<64x256xf32>
    %reshape3A_346 = vector.shape_cast %slice3A_345 : vector<64x256xf32> to vector<8x8x256xf32>
    %swap3A_347 = arith.constant 0 : index
    %swap3A_348 = arith.constant 40 : index
    %swap3A_349 = arith.constant 0 : index
    %swap3A_350 = vector.load %arg12[%swap3A_347, %swap3A_348, %swap3A_349] : memref<8x64x256xf32, #tpu.memory_space<vmem>>, vector<8x8x256xf32>
    tpu.vector_store %arg12[%swap3A_347, %swap3A_348, %swap3A_349], %reshape3A_346 {strides = array<i32>} : memref<8x64x256xf32, #tpu.memory_space<vmem>>, vector<8x8x256xf32>,
    %slice3A_351 = vector.extract_strided_slice %concatenate3A_314 {offsets = [384, 0], sizes = [64, 256], strides = [1, 1]} : vector<512x256xf32> to vector<64x256xf32>
    %reshape3A_352 = vector.shape_cast %slice3A_351 : vector<64x256xf32> to vector<8x8x256xf32>
    %swap3A_353 = arith.constant 0 : index
    %swap3A_354 = arith.constant 48 : index
    %swap3A_355 = arith.constant 0 : index
    %swap3A_356 = vector.load %arg12[%swap3A_353, %swap3A_354, %swap3A_355] : memref<8x64x256xf32, #tpu.memory_space<vmem>>, vector<8x8x256xf32>
    tpu.vector_store %arg12[%swap3A_353, %swap3A_354, %swap3A_355], %reshape3A_352 {strides = array<i32>} : memref<8x64x256xf32, #tpu.memory_space<vmem>>, vector<8x8x256xf32>,
    %slice3A_357 = vector.extract_strided_slice %concatenate3A_314 {offsets = [448, 0], sizes = [64, 256], strides = [1, 1]} : vector<512x256xf32> to vector<64x256xf32>
    %reshape3A_358 = vector.shape_cast %slice3A_357 : vector<64x256xf32> to vector<8x8x256xf32>
    %swap3A_359 = arith.constant 0 : index
    %swap3A_360 = arith.constant 56 : index
    %swap3A_361 = arith.constant 0 : index
    %swap3A_362 = vector.load %arg12[%swap3A_359, %swap3A_360, %swap3A_361] : memref<8x64x256xf32, #tpu.memory_space<vmem>>, vector<8x8x256xf32>
    tpu.vector_store %arg12[%swap3A_359, %swap3A_360, %swap3A_361], %reshape3A_358 {strides = array<i32>} : memref<8x64x256xf32, #tpu.memory_space<vmem>>, vector<8x8x256xf32>,
    %get3A_363 = arith.constant 0 : index
    %get3A_364 = arith.constant 0 : index
    %get3A_365 = vector.load %arg2[%get3A_363, %get3A_364] : memref<512x8xf32, #tpu.memory_space<vmem>>, vector<512x8xf32>
    %reduce_sum3A_366 = arith.constant dense<0.000000e+00> : vector<512xf32>
    %reduce_sum3A_367 = vector.multi_reduction <add>, %get3A_365, %reduce_sum3A_366 [1] : vector<512x8xf32> to vector<512xf32>
    %broadcast_in_dim3A_368 = vector.shape_cast %reduce_sum3A_367 : vector<512xf32> to vector<512x1xf32>
    %get3A_369 = arith.constant 0 : index
    %get3A_370 = arith.constant 0 : index
    %get3A_371 = arith.constant 0 : index
    %get3A_372 = vector.load %arg12[%get3A_369, %get3A_370, %get3A_371] : memref<8x64x256xf32, #tpu.memory_space<vmem>>, vector<8x64x256xf32>
    %reshape3A_373 = vector.shape_cast %get3A_372 : vector<8x64x256xf32> to vector<512x256xf32>
    %convert_element_type3A_374 = arith.truncf %reshape3A_373 : vector<512x256xf32> to vector<512x256xbf16>
    %get3A_375 = arith.constant 0 : index
    %get3A_376 = arith.constant 0 : index
    %get3A_377 = vector.load %arg8[%get3A_375, %get3A_376] : memref<8x256xf32, #tpu.memory_space<vmem>>, vector<8x256xf32>
    %broadcast_in_dim3A_378 = arith.constant 0.000000e+00 : f32
    %broadcast_in_dim3A_379 = vector.broadcast %broadcast_in_dim3A_378 : f32 to vector<512x256xf32>
    %slice3A_380 = vector.extract_strided_slice %get3A_365 {offsets = [0, 0], sizes = [512, 1], strides = [1, 1]} : vector<512x8xf32> to vector<512x1xf32>
    %gt3A = arith.constant 0.000000e+00 : f32
    %gt3A_381 = vector.broadcast %gt3A : f32 to vector<512x1xf32>
    %gt3A_382 = arith.cmpf ogt, %slice3A_380, %gt3A_381 : vector<512x1xf32>
    %jit3A = arith.constant 1.000000e+00 : f32
    %jit3A_383 = arith.constant 0.000000e+00 : f32
    %broadcast_in_dim3A_384 = vector.broadcast %jit3A : f32 to vector<512x1xf32>
    %broadcast_in_dim3A_385 = vector.broadcast %jit3A_383 : f32 to vector<512x1xf32>
    %select_n3A = arith.select %gt3A_382, %broadcast_in_dim3A_384, %broadcast_in_dim3A_385 : vector<512x1xi1>, vector<512x1xf32>
    %get3A_386 = arith.constant 0 : index
    %get3A_387 = arith.constant 0 : index
    %get3A_388 = arith.constant 0 : index
    %get3A_389 = vector.load %arg7[%get3A_386, %get3A_387, %get3A_388] : memref<8x256x256xbf16, #tpu.memory_space<vmem>>, vector<1x256x256xbf16>
    %get3A_390 = vector.shape_cast %get3A_389 : vector<1x256x256xbf16> to vector<256x256xbf16>
    %dot_general3A_391 = arith.constant dense<0.000000e+00> : vector<512x256xf32>
    %dot_general3A_392 = tpu.matmul %convert_element_type3A_374, %get3A_390, %dot_general3A_391 {dimension_numbers = #tpu.dot_dimension_numbers<[1], [0], [0], [1], [0, 0, 1, 1], [], []>, transpose_lhs_hint = false} : vector<512x256xbf16>, vector<256x256xbf16>, vector<512x256xf32> -> vector<512x256xf32>
    %slice3A_393 = vector.extract_strided_slice %get3A_377 {offsets = [0, 0], sizes = [1, 256], strides = [1, 1]} : vector<8x256xf32> to vector<1x256xf32>
    %add3A_394 = vector.broadcast %slice3A_393 : vector<1x256xf32> to vector<512x256xf32>
    %add3A_395 = arith.addf %dot_general3A_392, %add3A_394 : vector<512x256xf32>
    %mul3A_396 = vector.broadcast %select_n3A : vector<512x1xf32> to vector<512x256xf32>
    %mul3A_397 = arith.mulf %mul3A_396, %add3A_395 : vector<512x256xf32>
    %add3A_398 = arith.addf %broadcast_in_dim3A_379, %mul3A_397 : vector<512x256xf32>
    %slice3A_399 = vector.extract_strided_slice %get3A_365 {offsets = [0, 1], sizes = [512, 1], strides = [1, 1]} : vector<512x8xf32> to vector<512x1xf32>
    %gt3A_400 = arith.constant 0.000000e+00 : f32
    %gt3A_401 = vector.broadcast %gt3A_400 : f32 to vector<512x1xf32>
    %gt3A_402 = arith.cmpf ogt, %slice3A_399, %gt3A_401 : vector<512x1xf32>
    %jit3A_403 = arith.constant 1.000000e+00 : f32
    %jit3A_404 = arith.constant 0.000000e+00 : f32
    %broadcast_in_dim3A_405 = vector.broadcast %jit3A_403 : f32 to vector<512x1xf32>
    %broadcast_in_dim3A_406 = vector.broadcast %jit3A_404 : f32 to vector<512x1xf32>
    %select_n3A_407 = arith.select %gt3A_402, %broadcast_in_dim3A_405, %broadcast_in_dim3A_406 : vector<512x1xi1>, vector<512x1xf32>
    %get3A_408 = arith.constant 1 : index
    %get3A_409 = arith.constant 0 : index
    %get3A_410 = arith.constant 0 : index
    %get3A_411 = vector.load %arg7[%get3A_408, %get3A_409, %get3A_410] : memref<8x256x256xbf16, #tpu.memory_space<vmem>>, vector<1x256x256xbf16>
    %get3A_412 = vector.shape_cast %get3A_411 : vector<1x256x256xbf16> to vector<256x256xbf16>
    %dot_general3A_413 = arith.constant dense<0.000000e+00> : vector<512x256xf32>
    %dot_general3A_414 = tpu.matmul %convert_element_type3A_374, %get3A_412, %dot_general3A_413 {dimension_numbers = #tpu.dot_dimension_numbers<[1], [0], [0], [1], [0, 0, 1, 1], [], []>, transpose_lhs_hint = false} : vector<512x256xbf16>, vector<256x256xbf16>, vector<512x256xf32> -> vector<512x256xf32>
    %slice3A_415 = vector.extract_strided_slice %get3A_377 {offsets = [1, 0], sizes = [1, 256], strides = [1, 1]} : vector<8x256xf32> to vector<1x256xf32>
    %add3A_416 = vector.broadcast %slice3A_415 : vector<1x256xf32> to vector<512x256xf32>
    %add3A_417 = arith.addf %dot_general3A_414, %add3A_416 : vector<512x256xf32>
    %mul3A_418 = vector.broadcast %select_n3A_407 : vector<512x1xf32> to vector<512x256xf32>
    %mul3A_419 = arith.mulf %mul3A_418, %add3A_417 : vector<512x256xf32>
    %add3A_420 = arith.addf %add3A_398, %mul3A_419 : vector<512x256xf32>
    %slice3A_421 = vector.extract_strided_slice %get3A_365 {offsets = [0, 2], sizes = [512, 1], strides = [1, 1]} : vector<512x8xf32> to vector<512x1xf32>
    %gt3A_422 = arith.constant 0.000000e+00 : f32
    %gt3A_423 = vector.broadcast %gt3A_422 : f32 to vector<512x1xf32>
    %gt3A_424 = arith.cmpf ogt, %slice3A_421, %gt3A_423 : vector<512x1xf32>
    %jit3A_425 = arith.constant 1.000000e+00 : f32
    %jit3A_426 = arith.constant 0.000000e+00 : f32
    %broadcast_in_dim3A_427 = vector.broadcast %jit3A_425 : f32 to vector<512x1xf32>
    %broadcast_in_dim3A_428 = vector.broadcast %jit3A_426 : f32 to vector<512x1xf32>
    %select_n3A_429 = arith.select %gt3A_424, %broadcast_in_dim3A_427, %broadcast_in_dim3A_428 : vector<512x1xi1>, vector<512x1xf32>
    %get3A_430 = arith.constant 2 : index
    %get3A_431 = arith.constant 0 : index
    %get3A_432 = arith.constant 0 : index
    %get3A_433 = vector.load %arg7[%get3A_430, %get3A_431, %get3A_432] : memref<8x256x256xbf16, #tpu.memory_space<vmem>>, vector<1x256x256xbf16>
    %get3A_434 = vector.shape_cast %get3A_433 : vector<1x256x256xbf16> to vector<256x256xbf16>
    %dot_general3A_435 = arith.constant dense<0.000000e+00> : vector<512x256xf32>
    %dot_general3A_436 = tpu.matmul %convert_element_type3A_374, %get3A_434, %dot_general3A_435 {dimension_numbers = #tpu.dot_dimension_numbers<[1], [0], [0], [1], [0, 0, 1, 1], [], []>, transpose_lhs_hint = false} : vector<512x256xbf16>, vector<256x256xbf16>, vector<512x256xf32> -> vector<512x256xf32>
    %slice3A_437 = vector.extract_strided_slice %get3A_377 {offsets = [2, 0], sizes = [1, 256], strides = [1, 1]} : vector<8x256xf32> to vector<1x256xf32>
    %add3A_438 = vector.broadcast %slice3A_437 : vector<1x256xf32> to vector<512x256xf32>
    %add3A_439 = arith.addf %dot_general3A_436, %add3A_438 : vector<512x256xf32>
    %mul3A_440 = vector.broadcast %select_n3A_429 : vector<512x1xf32> to vector<512x256xf32>
    %mul3A_441 = arith.mulf %mul3A_440, %add3A_439 : vector<512x256xf32>
    %add3A_442 = arith.addf %add3A_420, %mul3A_441 : vector<512x256xf32>
    %slice3A_443 = vector.extract_strided_slice %get3A_365 {offsets = [0, 3], sizes = [512, 1], strides = [1, 1]} : vector<512x8xf32> to vector<512x1xf32>
    %gt3A_444 = arith.constant 0.000000e+00 : f32
    %gt3A_445 = vector.broadcast %gt3A_444 : f32 to vector<512x1xf32>
    %gt3A_446 = arith.cmpf ogt, %slice3A_443, %gt3A_445 : vector<512x1xf32>
    %jit3A_447 = arith.constant 1.000000e+00 : f32
    %jit3A_448 = arith.constant 0.000000e+00 : f32
    %broadcast_in_dim3A_449 = vector.broadcast %jit3A_447 : f32 to vector<512x1xf32>
    %broadcast_in_dim3A_450 = vector.broadcast %jit3A_448 : f32 to vector<512x1xf32>
    %select_n3A_451 = arith.select %gt3A_446, %broadcast_in_dim3A_449, %broadcast_in_dim3A_450 : vector<512x1xi1>, vector<512x1xf32>
    %get3A_452 = arith.constant 3 : index
    %get3A_453 = arith.constant 0 : index
    %get3A_454 = arith.constant 0 : index
    %get3A_455 = vector.load %arg7[%get3A_452, %get3A_453, %get3A_454] : memref<8x256x256xbf16, #tpu.memory_space<vmem>>, vector<1x256x256xbf16>
    %get3A_456 = vector.shape_cast %get3A_455 : vector<1x256x256xbf16> to vector<256x256xbf16>
    %dot_general3A_457 = arith.constant dense<0.000000e+00> : vector<512x256xf32>
    %dot_general3A_458 = tpu.matmul %convert_element_type3A_374, %get3A_456, %dot_general3A_457 {dimension_numbers = #tpu.dot_dimension_numbers<[1], [0], [0], [1], [0, 0, 1, 1], [], []>, transpose_lhs_hint = false} : vector<512x256xbf16>, vector<256x256xbf16>, vector<512x256xf32> -> vector<512x256xf32>
    %slice3A_459 = vector.extract_strided_slice %get3A_377 {offsets = [3, 0], sizes = [1, 256], strides = [1, 1]} : vector<8x256xf32> to vector<1x256xf32>
    %add3A_460 = vector.broadcast %slice3A_459 : vector<1x256xf32> to vector<512x256xf32>
    %add3A_461 = arith.addf %dot_general3A_458, %add3A_460 : vector<512x256xf32>
    %mul3A_462 = vector.broadcast %select_n3A_451 : vector<512x1xf32> to vector<512x256xf32>
    %mul3A_463 = arith.mulf %mul3A_462, %add3A_461 : vector<512x256xf32>
    %add3A_464 = arith.addf %add3A_442, %mul3A_463 : vector<512x256xf32>
    %slice3A_465 = vector.extract_strided_slice %get3A_365 {offsets = [0, 4], sizes = [512, 1], strides = [1, 1]} : vector<512x8xf32> to vector<512x1xf32>
    %gt3A_466 = arith.constant 0.000000e+00 : f32
    %gt3A_467 = vector.broadcast %gt3A_466 : f32 to vector<512x1xf32>
    %gt3A_468 = arith.cmpf ogt, %slice3A_465, %gt3A_467 : vector<512x1xf32>
    %jit3A_469 = arith.constant 1.000000e+00 : f32
    %jit3A_470 = arith.constant 0.000000e+00 : f32
    %broadcast_in_dim3A_471 = vector.broadcast %jit3A_469 : f32 to vector<512x1xf32>
    %broadcast_in_dim3A_472 = vector.broadcast %jit3A_470 : f32 to vector<512x1xf32>
    %select_n3A_473 = arith.select %gt3A_468, %broadcast_in_dim3A_471, %broadcast_in_dim3A_472 : vector<512x1xi1>, vector<512x1xf32>
    %get3A_474 = arith.constant 4 : index
    %get3A_475 = arith.constant 0 : index
    %get3A_476 = arith.constant 0 : index
    %get3A_477 = vector.load %arg7[%get3A_474, %get3A_475, %get3A_476] : memref<8x256x256xbf16, #tpu.memory_space<vmem>>, vector<1x256x256xbf16>
    %get3A_478 = vector.shape_cast %get3A_477 : vector<1x256x256xbf16> to vector<256x256xbf16>
    %dot_general3A_479 = arith.constant dense<0.000000e+00> : vector<512x256xf32>
    %dot_general3A_480 = tpu.matmul %convert_element_type3A_374, %get3A_478, %dot_general3A_479 {dimension_numbers = #tpu.dot_dimension_numbers<[1], [0], [0], [1], [0, 0, 1, 1], [], []>, transpose_lhs_hint = false} : vector<512x256xbf16>, vector<256x256xbf16>, vector<512x256xf32> -> vector<512x256xf32>
    %slice3A_481 = vector.extract_strided_slice %get3A_377 {offsets = [4, 0], sizes = [1, 256], strides = [1, 1]} : vector<8x256xf32> to vector<1x256xf32>
    %add3A_482 = vector.broadcast %slice3A_481 : vector<1x256xf32> to vector<512x256xf32>
    %add3A_483 = arith.addf %dot_general3A_480, %add3A_482 : vector<512x256xf32>
    %mul3A_484 = vector.broadcast %select_n3A_473 : vector<512x1xf32> to vector<512x256xf32>
    %mul3A_485 = arith.mulf %mul3A_484, %add3A_483 : vector<512x256xf32>
    %add3A_486 = arith.addf %add3A_464, %mul3A_485 : vector<512x256xf32>
    %slice3A_487 = vector.extract_strided_slice %get3A_365 {offsets = [0, 5], sizes = [512, 1], strides = [1, 1]} : vector<512x8xf32> to vector<512x1xf32>
    %gt3A_488 = arith.constant 0.000000e+00 : f32
    %gt3A_489 = vector.broadcast %gt3A_488 : f32 to vector<512x1xf32>
    %gt3A_490 = arith.cmpf ogt, %slice3A_487, %gt3A_489 : vector<512x1xf32>
    %jit3A_491 = arith.constant 1.000000e+00 : f32
    %jit3A_492 = arith.constant 0.000000e+00 : f32
    %broadcast_in_dim3A_493 = vector.broadcast %jit3A_491 : f32 to vector<512x1xf32>
    %broadcast_in_dim3A_494 = vector.broadcast %jit3A_492 : f32 to vector<512x1xf32>
    %select_n3A_495 = arith.select %gt3A_490, %broadcast_in_dim3A_493, %broadcast_in_dim3A_494 : vector<512x1xi1>, vector<512x1xf32>
    %get3A_496 = arith.constant 5 : index
    %get3A_497 = arith.constant 0 : index
    %get3A_498 = arith.constant 0 : index
    %get3A_499 = vector.load %arg7[%get3A_496, %get3A_497, %get3A_498] : memref<8x256x256xbf16, #tpu.memory_space<vmem>>, vector<1x256x256xbf16>
    %get3A_500 = vector.shape_cast %get3A_499 : vector<1x256x256xbf16> to vector<256x256xbf16>
    %dot_general3A_501 = arith.constant dense<0.000000e+00> : vector<512x256xf32>
    %dot_general3A_502 = tpu.matmul %convert_element_type3A_374, %get3A_500, %dot_general3A_501 {dimension_numbers = #tpu.dot_dimension_numbers<[1], [0], [0], [1], [0, 0, 1, 1], [], []>, transpose_lhs_hint = false} : vector<512x256xbf16>, vector<256x256xbf16>, vector<512x256xf32> -> vector<512x256xf32>
    %slice3A_503 = vector.extract_strided_slice %get3A_377 {offsets = [5, 0], sizes = [1, 256], strides = [1, 1]} : vector<8x256xf32> to vector<1x256xf32>
    %add3A_504 = vector.broadcast %slice3A_503 : vector<1x256xf32> to vector<512x256xf32>
    %add3A_505 = arith.addf %dot_general3A_502, %add3A_504 : vector<512x256xf32>
    %mul3A_506 = vector.broadcast %select_n3A_495 : vector<512x1xf32> to vector<512x256xf32>
    %mul3A_507 = arith.mulf %mul3A_506, %add3A_505 : vector<512x256xf32>
    %add3A_508 = arith.addf %add3A_486, %mul3A_507 : vector<512x256xf32>
    %slice3A_509 = vector.extract_strided_slice %get3A_365 {offsets = [0, 6], sizes = [512, 1], strides = [1, 1]} : vector<512x8xf32> to vector<512x1xf32>
    %gt3A_510 = arith.constant 0.000000e+00 : f32
    %gt3A_511 = vector.broadcast %gt3A_510 : f32 to vector<512x1xf32>
    %gt3A_512 = arith.cmpf ogt, %slice3A_509, %gt3A_511 : vector<512x1xf32>
    %jit3A_513 = arith.constant 1.000000e+00 : f32
    %jit3A_514 = arith.constant 0.000000e+00 : f32
    %broadcast_in_dim3A_515 = vector.broadcast %jit3A_513 : f32 to vector<512x1xf32>
    %broadcast_in_dim3A_516 = vector.broadcast %jit3A_514 : f32 to vector<512x1xf32>
    %select_n3A_517 = arith.select %gt3A_512, %broadcast_in_dim3A_515, %broadcast_in_dim3A_516 : vector<512x1xi1>, vector<512x1xf32>
    %get3A_518 = arith.constant 6 : index
    %get3A_519 = arith.constant 0 : index
    %get3A_520 = arith.constant 0 : index
    %get3A_521 = vector.load %arg7[%get3A_518, %get3A_519, %get3A_520] : memref<8x256x256xbf16, #tpu.memory_space<vmem>>, vector<1x256x256xbf16>
    %get3A_522 = vector.shape_cast %get3A_521 : vector<1x256x256xbf16> to vector<256x256xbf16>
    %dot_general3A_523 = arith.constant dense<0.000000e+00> : vector<512x256xf32>
    %dot_general3A_524 = tpu.matmul %convert_element_type3A_374, %get3A_522, %dot_general3A_523 {dimension_numbers = #tpu.dot_dimension_numbers<[1], [0], [0], [1], [0, 0, 1, 1], [], []>, transpose_lhs_hint = false} : vector<512x256xbf16>, vector<256x256xbf16>, vector<512x256xf32> -> vector<512x256xf32>
    %slice3A_525 = vector.extract_strided_slice %get3A_377 {offsets = [6, 0], sizes = [1, 256], strides = [1, 1]} : vector<8x256xf32> to vector<1x256xf32>
    %add3A_526 = vector.broadcast %slice3A_525 : vector<1x256xf32> to vector<512x256xf32>
    %add3A_527 = arith.addf %dot_general3A_524, %add3A_526 : vector<512x256xf32>
    %mul3A_528 = vector.broadcast %select_n3A_517 : vector<512x1xf32> to vector<512x256xf32>
    %mul3A_529 = arith.mulf %mul3A_528, %add3A_527 : vector<512x256xf32>
    %add3A_530 = arith.addf %add3A_508, %mul3A_529 : vector<512x256xf32>
    %slice3A_531 = vector.extract_strided_slice %get3A_365 {offsets = [0, 7], sizes = [512, 1], strides = [1, 1]} : vector<512x8xf32> to vector<512x1xf32>
    %gt3A_532 = arith.constant 0.000000e+00 : f32
    %gt3A_533 = vector.broadcast %gt3A_532 : f32 to vector<512x1xf32>
    %gt3A_534 = arith.cmpf ogt, %slice3A_531, %gt3A_533 : vector<512x1xf32>
    %jit3A_535 = arith.constant 1.000000e+00 : f32
    %jit3A_536 = arith.constant 0.000000e+00 : f32
    %broadcast_in_dim3A_537 = vector.broadcast %jit3A_535 : f32 to vector<512x1xf32>
    %broadcast_in_dim3A_538 = vector.broadcast %jit3A_536 : f32 to vector<512x1xf32>
    %select_n3A_539 = arith.select %gt3A_534, %broadcast_in_dim3A_537, %broadcast_in_dim3A_538 : vector<512x1xi1>, vector<512x1xf32>
    %get3A_540 = arith.constant 7 : index
    %get3A_541 = arith.constant 0 : index
    %get3A_542 = arith.constant 0 : index
    %get3A_543 = vector.load %arg7[%get3A_540, %get3A_541, %get3A_542] : memref<8x256x256xbf16, #tpu.memory_space<vmem>>, vector<1x256x256xbf16>
    %get3A_544 = vector.shape_cast %get3A_543 : vector<1x256x256xbf16> to vector<256x256xbf16>
    %dot_general3A_545 = arith.constant dense<0.000000e+00> : vector<512x256xf32>
    %dot_general3A_546 = tpu.matmul %convert_element_type3A_374, %get3A_544, %dot_general3A_545 {dimension_numbers = #tpu.dot_dimension_numbers<[1], [0], [0], [1], [0, 0, 1, 1], [], []>, transpose_lhs_hint = false} : vector<512x256xbf16>, vector<256x256xbf16>, vector<512x256xf32> -> vector<512x256xf32>
    %slice3A_547 = vector.extract_strided_slice %get3A_377 {offsets = [7, 0], sizes = [1, 256], strides = [1, 1]} : vector<8x256xf32> to vector<1x256xf32>
    %add3A_548 = vector.broadcast %slice3A_547 : vector<1x256xf32> to vector<512x256xf32>
    %add3A_549 = arith.addf %dot_general3A_546, %add3A_548 : vector<512x256xf32>
    %mul3A_550 = vector.broadcast %select_n3A_539 : vector<512x1xf32> to vector<512x256xf32>
    %mul3A_551 = arith.mulf %mul3A_550, %add3A_549 : vector<512x256xf32>
    %add3A_552 = arith.addf %add3A_530, %mul3A_551 : vector<512x256xf32>
    %mul3A_553 = vector.broadcast %broadcast_in_dim3A_368 : vector<512x1xf32> to vector<512x256xf32>
    %mul3A_554 = arith.mulf %add3A_552, %mul3A_553 : vector<512x256xf32>
    %swap3A_555 = arith.constant 0 : index
    %swap3A_556 = arith.constant 0 : index
    %swap3A_557 = vector.load %arg9[%swap3A_555, %swap3A_556] : memref<512x256xf32, #tpu.memory_space<vmem>>, vector<512x256xf32>
    tpu.vector_store %arg9[%swap3A_555, %swap3A_556], %mul3A_554 {strides = array<i32>} : memref<512x256xf32, #tpu.memory_space<vmem>>, vector<512x256xf32>,
    return
  }
  func.func @transform_0(%arg0: i32) -> (i32, i32) {
    %c0_i32 = arith.constant 0 : i32
    %c0_i32_0 = arith.constant 0 : i32
    return %arg0, %c0_i32 : i32, i32
  }
  func.func @transform_1(%arg0: i32) -> (i32, i32) {
    %c0_i32 = arith.constant 0 : i32
    %c0_i32_0 = arith.constant 0 : i32
    return %arg0, %c0_i32 : i32, i32
  }
  func.func @transform_2(%arg0: i32) -> (i32, i32) {
    %c0_i32 = arith.constant 0 : i32
    %c0_i32_0 = arith.constant 0 : i32
    %c0_i32_1 = arith.constant 0 : i32
    return %c0_i32, %c0_i32_0 : i32, i32
  }
  func.func @transform_3(%arg0: i32) -> (i32, i32) {
    %c0_i32 = arith.constant 0 : i32
    %c0_i32_0 = arith.constant 0 : i32
    %c0_i32_1 = arith.constant 0 : i32
    return %c0_i32, %c0_i32_0 : i32, i32
  }
  func.func @transform_4(%arg0: i32) -> (i32, i32) {
    %c0_i32 = arith.constant 0 : i32
    %c0_i32_0 = arith.constant 0 : i32
    %c0_i32_1 = arith.constant 0 : i32
    return %c0_i32, %c0_i32_0 : i32, i32
  }
  func.func @transform_5(%arg0: i32) -> (i32, i32) {
    %c0_i32 = arith.constant 0 : i32
    %c0_i32_0 = arith.constant 0 : i32
    %c0_i32_1 = arith.constant 0 : i32
    return %c0_i32, %c0_i32_0 : i32, i32
  }
  func.func @transform_6(%arg0: i32) -> (i32, i32, i32) {
    %c0_i32 = arith.constant 0 : i32
    %c0_i32_0 = arith.constant 0 : i32
    %c0_i32_1 = arith.constant 0 : i32
    %c0_i32_2 = arith.constant 0 : i32
    return %c0_i32, %c0_i32_0, %c0_i32_1 : i32, i32, i32
  }
  func.func @transform_7(%arg0: i32) -> (i32, i32) {
    %c0_i32 = arith.constant 0 : i32
    %c0_i32_0 = arith.constant 0 : i32
    %c0_i32_1 = arith.constant 0 : i32
    return %c0_i32, %c0_i32_0 : i32, i32
  }
  func.func @transform_8(%arg0: i32) -> (i32, i32) {
    %c0_i32 = arith.constant 0 : i32
    %c0_i32_0 = arith.constant 0 : i32
    return %arg0, %c0_i32 : i32, i32
  }
}

</mosaic_0001>

<sc_bundles>
// kernel: kernel.10.cloned.1.call-start
scs
__scs_entry_jumppad:
0x0: {  	(pc) =	sbr.rel $0x88, $3  }
0x1: {  	(tag) =	ssettag $0x0;
	lr =	simm.s32 $0x1  }
0x2: {  	[smem:$0x3F98] =	sst lr;
	_ =	strace $0xD0000000  }
0x3: {  	_ = 	snop  }
0x4: {  	_ = 	snop  }
0x5: {  	_ = 	snop  }
0x6: {  	_ = 	snop  }
0x7: {  	_ = 	snop  }
__scs_overlays_trampoline_lowered:
0x8: {  	[smem:$0x3FA7] =	sst s0  }
0x9: {  	[smem:$0x3FA8] =	sst s1  }
0xa: {  	[smem:$0x3FA9] =	sst s2  }
0xb: {  	[smem:$0x3FAA] =	sst s3  }
0xc: {  	[smem:$0x3FAB] =	sst s4  }
0xd: {  	[smem:$0x3FAC] =	sst s5  }
0xe: {  	[smem:$0x3FAD] =	sst s6  }
0xf: {  	[smem:$0x3FAE] =	sst s7  }
0x10: {  	[smem:$0x3FAF] =	sst s8  }
0x11: {  	[smem:$0x3FB0] =	sst s9;
	s0 =	simm.s32 @!p0 $0x0  }
0x12: {  	s1 =	sld [smem:$0x3F96];
	s0 =	simm.s32 @p0 $0x1  }
0x13: {  	[smem:$0x3FB1] =	sst s0;
	s0 =	simm.s32 @!p1 $0x0  }
0x14: {  	s2 =	sld [smem:$0x3F95];
	s0 =	simm.s32 @p1 $0x1  }
0x15: {  	[smem:$0x3FB2] =	sst s0;
	s0 =	simm.s32 @!p2 $0x0  }
0x16: {  	s3 =	sld [smem:$0x3FDB];
	s0 =	simm.s32 @p2 $0x1  }
0x17: {  	s4 =	simm.s32 $0x1BF5;
	[smem:$0x3FB4] =	sst s0  }
0x18: {  	s0 =	sld [smem:$0x3F97];
	_ =	swait.ge [sflag:s4], $0x0  }
0x19: {  	s7 =	sld [smem:$0x3F98]  }
0x1a: {  	s8 =	sadd.s32 $0xFFFFE003, lr  }
0x1b: {  	s9 =	sadd.s32 $0xFFFFFEF7, lr;
	s5 =	simm.s32 $0xFFFFFFFF;
	p2 =	slt.u32 s8, $0xFFFFF086  }
0x1c: {  	p1 =	slt.u32 s9, $0xF7A;
	s5 =	simm.s32 @!p2 $0x0  }
0x1d: {  	s5 =	simm.s32 @p1 $0x1;
	p0 =	seq.s32 s7, s2  }
0x1e: {  	s7 =	smul.u32 @!p0 $0xF7A, s2;
	p2 =	seq.s32 @!p0 s5, $0x0  }
0x1f: {  	s9 =	smul.u32 $0xF7A, s1;
	s8 =	simm.s32 @!p0 $0x1BF5;
	p2 =	por !p2, p0  }
0x20: {  	[sflag:s8] =	ssyncset.s32 @!p0 $0xFFFFF086;
	s6 =	sadd.s32 @!p0 s3, s7;
	s7 =	simm.s32 @!p0 $0x108  }
0x21: {  	s3 =	sadd.s32 s3, s9;
	s6 =	sadd.s32 @!p0 $0x88, s6;
	s7 =	simm.s32 @p2 $0x1082  }
0x22: {  	[simem:s7], [sflag:s8] =	dma.local @!p0 [hbm:s6], $0xF7A  }
0x23: {  	s9 =	sor.u32 $0xD0000000, s2;
	s6 =	simm.s32 $0x108;
	_ =	swait.ge @!p0 [sflag:s8], $0x0  }
0x24: {  	s3 =	sadd.s32 $0x88, s3;
	s6 =	simm.s32 @!p1 $0x1082;
	[sflag:s4] =	ssyncset.s32 $0xFFFFF086  }
0x25: {  	[simem:s6], [sflag:s4] =	dma.local [hbm:s3], $0xF7A  }
0x26: {  	[smem:$0x3F98] =	sst s1;
	(tag) =	ssettag s2;
	_ =	strace s9  }
0x27: {  	s1 =	sld [smem:$0x3FA8]  }
0x28: {  	s2 =	sld [smem:$0x3FA9]  }
0x29: {  	s4 =	sld [smem:$0x3FAB]  }
0x2a: {  	p0 =	seq.s32 s5, $0x0;
	s5 =	sld [smem:$0x3FAC]  }
0x2b: {  	s6 =	sld [smem:$0x3FAD]  }
0x2c: {  	s7 =	sld [smem:$0x3FAE]  }
0x2d: {  	s3 =	simm.s32 $0x108;
	s8 =	sld [smem:$0x3FAF]  }
0x2e: {  	s3 =	simm.s32 @!p0 $0x1082;
	s9 =	sld [smem:$0x3FB0]  }
0x2f: {  	lr =	sadd.s32 s0, s3;
	s0 =	sld [smem:$0x3FA7]  }
0x30: {  	s3 =	sld [smem:$0x3FAA]  }
0x31: {  	[smem:$0x3FB3] =	sst s10  }
0x32: {  	s10 =	sld [smem:$0x3FB1];
	_ =	sdelay $0x3  }
0x33: {  	p0 =	seq.s32 s10, $0x1;
	s10 =	sld [smem:$0x3FB3];
	_ =	sdelay $0x3  }
0x34: {  	[smem:$0x3FB3] =	sst s10  }
0x35: {  	s10 =	sld [smem:$0x3FB2];
	_ =	sdelay $0x3  }
0x36: {  	p1 =	seq.s32 s10, $0x1;
	s10 =	sld [smem:$0x3FB3];
	_ =	sdelay $0x3  }
0x37: {  	[smem:$0x3FB3] =	sst s10  }
0x38: {  	s10 =	sld [smem:$0x3FB4]  }
0x39: {  	_ = 	snop;
	(pc) =	sbr.ind lr, $3  }
0x3a: {  	_ = 	snop  }
0x3b: {  	_ = 	snop  }
0x3c: {  	p2 =	seq.s32 s10, $0x1;
	s10 =	sld [smem:$0x3FB3]  }
0x3d: {  	_ =	shalt  }
0x3e: {  	_ =	shalt  }
0x3f: {  	_ =	shalt  }
0x40: {  	_ =	shalt  }
0x41: {  	_ =	shalt  }
0x42: {  	_ =	shalt  }
0x43: {  	_ =	shalt  }
0x44: {  	_ =	shalt  }
0x45: {  	_ =	shalt  }
0x46: {  	_ =	shalt  }
0x47: {  	_ =	shalt  }
0x48: {  	_ =	shalt  }
0x49: {  	_ =	shalt  }
0x4a: {  	_ =	shalt  }
0x4b: {  	_ =	shalt  }
0x4c: {  	_ =	shalt  }
0x4d: {  	_ =	shalt  }
0x4e: {  	_ =	shalt  }
0x4f: {  	_ =	shalt  }
0x50: {  	_ =	shalt  }
0x51: {  	_ =	shalt  }
0x52: {  	_ =	shalt  }
0x53: {  	_ =	shalt  }
0x54: {  	_ =	shalt  }
0x55: {  	_ =	shalt  }
0x56: {  	_ =	shalt  }
0x57: {  	_ =	shalt  }
0x58: {  	_ =	shalt  }
0x59: {  	_ =	shalt  }
0x5a: {  	_ =	shalt  }
0x5b: {  	_ =	shalt  }
0x5c: {  	_ =	shalt  }
0x5d: {  	_ =	shalt  }
0x5e: {  	_ =	shalt  }
0x5f: {  	_ =	shalt  }
0x60: {  	_ =	shalt  }
0x61: {  	_ =	shalt  }
0x62: {  	_ =	shalt  }
0x63: {  	_ =	shalt  }
0x64: {  	_ =	shalt  }
0x65: {  	_ =	shalt  }
0x66: {  	_ =	shalt  }
0x67: {  	_ =	shalt  }
0x68: {  	_ =	shalt  }
0x69: {  	_ =	shalt  }
0x6a: {  	_ =	shalt  }
0x6b: {  	_ =	shalt  }
0x6c: {  	_ =	shalt  }
0x6d: {  	_ =	shalt  }
0x6e: {  	_ =	shalt  }
0x6f: {  	_ =	shalt  }
0x70: {  	_ =	shalt  }
0x71: {  	_ =	shalt  }
0x72: {  	_ =	shalt  }
0x73: {  	_ =	shalt  }
0x74: {  	_ =	shalt  }
0x75: {  	_ =	shalt  }
0x76: {  	_ =	shalt  }
0x77: {  	_ =	shalt  }
0x78: {  	_ =	shalt  }
0x79: {  	_ =	shalt  }
0x7a: {  	_ =	shalt  }
0x7b: {  	_ =	shalt  }
0x7c: {  	_ =	shalt  }
0x7d: {  	_ =	shalt  }
0x7e: {  	_ =	shalt  }
0x7f: {  	_ =	shalt  }
0x80: {  	_ =	shalt  }
0x81: {  	_ =	shalt  }
0x82: {  	_ =	shalt  }
0x83: {  	_ =	shalt  }
0x84: {  	_ =	shalt  }
0x85: {  	_ =	shalt  }
0x86: {  	_ =	shalt  }
0x87: {  	_ =	shalt  }
.Lfunc_end0:
.L_simem_size_0:
called_computation.1_lowered:
.L_overlay_start_0:
0x88: {  	s2 =	sld [smem:$0x3FD9]  }
0x89: {  	s3 =	sld [smem:$0x3FFE];
	_ =	sdelay $0x1  }
0x8a: {  	s1 =	srdreg.scid  }
0x8b: {  	s0 =	sand.u32 $0x1, s1  }
0x8c: {  	s17 =	sshll.u32 s0, $0xA;
	s2 =	sadd.s32 s3, s2  }
0x8d: {  	s2 =	sadd.s32 s2, s17  }
0x8e: {  	[smem:$0x3FBF] =	sst s2  }
0x8f: {  	_ = 	snop  }
0x90: {  	s2 =	sld [smem:$0x3FD0];
	(tm) =	ssettm $0x1  }
0x91: {  	s18 =	sld [smem:$0x3FFB];
	_ =	sdelay $0x3  }
0x92: {  	_ =	strace s18  }
0x93: {  	s3 =	sld [smem:$0x3FFC];
	_ =	sdelay $0x3  }
0x94: {  	_ =	strace s3  }
0x95: {  	s3 =	sld [smem:$0x3FFD];
	_ =	sdelay $0x3  }
0x96: {  	_ =	strace s3  }
0x97: {  	_ =	strace $0x8FFFFFFF  }
0x98: {  	s19 =	sld [smem:$0x3FDB];
	_ =	sdelay $0x1  }
0x99: {  	s4 =	simm.s32 $_scs_section_size  }
0x9a: {  	s5 =	simm.s32 $_size__tile_overlayer_lowered;
	s6 =	simm.s32 $_tile_overlayer_lowered  }
0x9b: {  	s22 =	simm.s32 $0x1BFF;
	s21 =	sshll.u32 s6, $0x1;
	s3 =	sadd.s32 s4, s19  }
0x9c: {  	s7 =	simm.s32 $0x0;
	s20 =	sshll.u32 s5, $0x1;
	s5 =	sadd.s32 s21, s3  }
0x9d: {  	[timem:s7], [sflag:s22] =	dma.local [hbm:s5], s20  }
0x9e: {  	_ =	swait.ge [sflag:s22], s20  }
0x9f: {  	s4 =	ssub.s32 $0x0, s20;
	[sflag:s22] =	ssyncset.done $0x0  }
0xa0: {  	[sflag:s22] =	ssyncadd.s32 s4;
	_ =	sdelay $0x1  }
0xa1: {  	s23 =	simm.s32 $0x1B8B  }
0xa2: {  	_ =	swait.ge [sflag:s23], $0x1  }
0xa3: {  	[sflag:s23] =	ssyncset.done $0x0  }
0xa4: {  	s25 =	simm.s32 $0x1B8E;
	s24 =	sld [smem:$0x3FFE];
	[sflag:s23] =	ssyncadd.s32 $0xFFFFFFFF  }
0xa5: {  	s26 =	simm.s32 $execute0_lowered;
	[smem:$0x3FD2] =	sst s25  }
0xa6: {  	s5 =	sshll.u32 s26, $0x1;
	_ =	strace $0x80000049;
	[dreg:$0x1] =	wrdreg $0xFFFFFFFF  }
0xa7: {  	s28 =	simm.s32 $_size_execute0_lowered;
	s3 =	sadd.s32 s3, s5;
	[dreg:$0x0] =	wrdreg $0x0  }
0xa8: {  	s5 =	sshll.u32 s28, $0x1;
	[dreg:$0x2] =	wrdreg s3  }
0xa9: {  	[dreg:$0x3] =	wrdreg s5  }
0xaa: {  	[dreg:$0x4] =	wrdreg $0xC0  }
0xab: {  	_ =	task [dreg:s7], $0x5FFFF  }
0xac: {  	[dreg:$0x1] =	wrdreg $0xFFFFFFFF  }
0xad: {  	[dreg:$0x0] =	wrdreg $0x60  }
0xae: {  	[dreg:$0x2] =	wrdreg s24  }
0xaf: {  	[dreg:$0x3] =	wrdreg s2  }
0xb0: {  	[dreg:$0x4] =	wrdreg $0x9  }
0xb1: {  	_ =	task.clear_ibuf [dreg:s7], $0x5FFFF;
	_ =	strace $0x90000049  }
0xb2: {  	s29 =	simm.s32 $0x9;
	_ =	strace $0x8000004B  }
0xb3: {  	_ =	swait.ge [sflag:s29], $0x1  }
0xb4: {  	[sflag:s29] =	ssyncadd.s32 $0xFFFFFFFF  }
0xb5: {  	_ =	strace $0x9000004B  }
0xb6: {  	_ =	sfence  }
0xb7: {  	s30 =	sld [smem:$0x0];
	_ =	sdelay $0x2  }
0xb8: {  	s31 =	sshll.u32 s1, $0xD;
	s1 =	sshrl.u32 s1, $0x2  }
0xb9: {  	s3 =	sand.u32 $0x4000, s31;
	s1 =	sadd.s32 s1, s30  }
0xba: {  	s0 =	sor.u32 s3, s0;
	s1 =	sshll.u32 s1, $0x11  }
0xbb: {  	s0 =	sor.u32 s1, s0  }
0xbc: {  	s0 =	sadd.s32 $0x8F2B, s0  }
0xbd: {  	[sflag:s0] =	ssyncadd.remote.s32 $0x1  }
0xbe: {  	_ =	sfence.sel $0xFFFF  }
0xbf: {  	[dreg:$0x0] =	wrdreg $0xFFFFFFFF;
	(pc) =	sbr.abs _section_cstart, $3  }
0xc0: {  	[dreg:$0x1] =	wrdreg $0xFFFFFFFF  }
0xc1: {  	_ =	task.clear_ibuf [dreg:s7], $0x2FFFF;
	_ =	strace $0x9FFFFFFF  }
0xc2: {  	(tm) =	ssettm $0x7FFFFFFF  }
0xc3: {  	_ =	shalt  }
tec
execute0_lowered:
.L_overlay_start_1:
0x0: {  	(tag) =	ssettag $0x1  }
0x1: {  	s0 =	rddreg [dreg:$0x0]  }
0x2: {  	s1 =	rddreg [dreg:$0x1];
	s3 =	srdreg.scid  }
0x3: {  	s2 =	simm.s32 $0x0;
	s5 =	stileid.u32;
	s31 =	simm.s32 $0x80  }
0x4: {  	s4 =	sand.u32 $0x1, s3;
	[smem:$0x7FF] =	sst s2;
	s17 =	sshll.u32 s5, $0x6  }
0x5: {  	s3 =	sadd.s32 $0x2400, s0;
	s6 =	sadd.s32 $0x116400, s0;
	s18 =	sshll.u32 s4, $0x5  }
0x6: {  	_ =	strace $0x8000004A;
	s4 =	ssub.s32 $0x2, s4;
	s5 =	sor.u32 s18, s17  }
0x7: {  	s28 =	sshrl.u32 s4, $0x1;
	s7 =	smul.u32 $0x300, s5;
	s8 =	sadd.s32 s1, s5  }
0x8: {  	s9 =	sor.u32 $0x8, s5;
	s21 =	sor.u32 $0x10, s5;
	s5 =	sor.u32 $0x18, s5  }
0x9: {  	s29 =	ssub.s32 s4, s28;
	[dreg:$0x3] =	wrdreg s8;
	s20 =	sadd.s32 s1, s9  }
0xa: {  	s4 =	sadd.s32 $0x2500, s0;
	s24 =	sadd.s32 s1, s21;
	[dreg:$0x5] =	wrdreg s20  }
0xb: {  	s19 =	smul.u32 $0x300, s9;
	s1 =	sadd.s32 s1, s5;
	[dreg:$0x7] =	wrdreg s24  }
0xc: {  	s23 =	smul.u32 $0x300, s21;
	s7 =	sadd.s32 s6, s7;
	[dreg:$0x9] =	wrdreg s1  }
0xd: {  	s26 =	smul.u32 $0x300, s5;
	[dreg:$0x4] =	wrdreg s7;
	s22 =	sadd.s32 s6, s19  }
0xe: {  	v2 =	vlaneseq.u32;
	s5 =	sadd.s32 $0x2600, s0;
	s25 =	sadd.s32 s6, s23;
	[dreg:$0x6] =	wrdreg s22  }
0xf: {  	vm0 =	vmmov $0xffff;
	v1 =	vshrl.u32 v2, $0x3;
	s1 =	simm.s32 $0x1;
	s30 =	sadd.s32 s6, s26;
	[dreg:$0x8] =	wrdreg s25  }
0x10: {  	v0 =	vand.u32 $0x7, v2;
	v2 =	vor.u32 $0x8, v2;
	v1 =	vmul.u32 $0x8, v1;
	s6 =	smax.u32 s29, $0x1;
	s7 =	simm.s32 $0x2;
	[dreg:$0xa] =	wrdreg s30  }
.LBB2_1:
0x11: {  	s9 =	rddreg [dreg:$0x3]  }
0x12: {  	[tilespmem:s2], [sflag:$0x2] =	stream.linear.gather [hbm4b:s9+s2], $0x40, $0x38;
	[tilespmem:$0xC080] =	vst v63  }
0x13: {  	_ =	swait.ge [sflag:s7], $0x40  }
0x14: {  	[sflag:s7] =	ssyncset.done $0x0  }
0x15: {  	[sflag:s7] =	ssyncadd.s32 $0xFFFFFFC0  }
0x16: {  	v3 =	vld [tilespmem:$0x0];
	_ =	sdelay $0x4  }
0x17: {  	v4 =	vshrl.u32 v3, $0x3  }
0x18: {  	v4 =	vmul.u32 $0x30, v4  }
0x19: {  	v3 =	vand.u32 $0x7, v3  }
0x1a: {  	v3 =	vor.u32 v3, v4  }
0x1b: {  	v4 =	vperm.xlane v3, v0;
	_ =	sdelay $0x1  }
0x1c: {  	v4 =	vadd.s32 v1, v4;
	_ =	sdelay $0x3  }
0x1d: {  	v3 =	vperm.xlane v3, v2  }
0x1e: {  	[tilespmem:s31], [sflag:$0x1] =	stream.indirect_vreg.gather [hbm4b:s3+s2], $0x80, v4, vm0, $0xb8;
	[tilespmem:$0xC080] =	vst v63  }
0x1f: {  	s0 =	simm.s32 $0x880;
	v3 =	vadd.s32 v1, v3  }
0x20: {  	[tilespmem:s0], [sflag:$0x1] =	stream.indirect_vreg.gather [hbm4b:s4+s2], $0x80, v4, vm0, $0xb8;
	[tilespmem:$0xC080] =	vst v63  }
0x21: {  	s28 =	simm.s32 $0x1080  }
0x22: {  	[tilespmem:s28], [sflag:$0x1] =	stream.indirect_vreg.gather [hbm4b:s5+s2], $0x80, v4, vm0, $0xb8;
	[tilespmem:$0xC080] =	vst v63  }
0x23: {  	s29 =	simm.s32 $0x1880  }
0x24: {  	[tilespmem:s29], [sflag:$0x1] =	stream.indirect_vreg.gather [hbm4b:s3+s2], $0x80, v3, vm0, $0xb8;
	[tilespmem:$0xC080] =	vst v63  }
0x25: {  	s30 =	simm.s32 $0x2080  }
0x26: {  	[tilespmem:s30], [sflag:$0x1] =	stream.indirect_vreg.gather [hbm4b:s4+s2], $0x80, v3, vm0, $0xb8;
	[tilespmem:$0xC080] =	vst v63  }
0x27: {  	s8 =	simm.s32 $0x2880  }
0x28: {  	[tilespmem:s8], [sflag:$0x1] =	stream.indirect_vreg.gather [hbm4b:s5+s2], $0x80, v3, vm0, $0xb8;
	[tilespmem:$0xC080] =	vst v63  }
0x29: {  	v3 =	vld [tilespmem:$0x10];
	_ =	sdelay $0x4  }
0x2a: {  	v49 =	vshrl.u32 v3, $0x3  }
0x2b: {  	v4 =	vmul.u32 $0x30, v49  }
0x2c: {  	v3 =	vand.u32 $0x7, v3  }
0x2d: {  	v3 =	vor.u32 v3, v4  }
0x2e: {  	v4 =	vperm.xlane v3, v0;
	_ =	sdelay $0x1  }
0x2f: {  	v4 =	vadd.s32 v1, v4;
	_ =	sdelay $0x3  }
0x30: {  	s9 =	simm.s32 $0x3080;
	v3 =	vperm.xlane v3, v2  }
0x31: {  	[tilespmem:s9], [sflag:$0x1] =	stream.indirect_vreg.gather [hbm4b:s3+s2], $0x80, v4, vm0, $0xb8;
	[tilespmem:$0xC080] =	vst v63  }
0x32: {  	s10 =	simm.s32 $0x3880;
	v3 =	vadd.s32 v1, v3  }
0x33: {  	[tilespmem:s10], [sflag:$0x1] =	stream.indirect_vreg.gather [hbm4b:s4+s2], $0x80, v4, vm0, $0xb8;
	[tilespmem:$0xC080] =	vst v63  }
0x34: {  	s11 =	simm.s32 $0x4080  }
0x35: {  	[tilespmem:s11], [sflag:$0x1] =	stream.indirect_vreg.gather [hbm4b:s5+s2], $0x80, v4, vm0, $0xb8;
	[tilespmem:$0xC080] =	vst v63  }
0x36: {  	s12 =	simm.s32 $0x4880  }
0x37: {  	[tilespmem:s12], [sflag:$0x1] =	stream.indirect_vreg.gather [hbm4b:s3+s2], $0x80, v3, vm0, $0xb8;
	[tilespmem:$0xC080] =	vst v63  }
0x38: {  	s13 =	simm.s32 $0x5080  }
0x39: {  	[tilespmem:s13], [sflag:$0x1] =	stream.indirect_vreg.gather [hbm4b:s4+s2], $0x80, v3, vm0, $0xb8;
	[tilespmem:$0xC080] =	vst v63  }
0x3a: {  	s14 =	simm.s32 $0x5880  }
0x3b: {  	[tilespmem:s14], [sflag:$0x1] =	stream.indirect_vreg.gather [hbm4b:s5+s2], $0x80, v3, vm0, $0xb8;
	[tilespmem:$0xC080] =	vst v63  }
0x3c: {  	v3 =	vld [tilespmem:$0x20];
	_ =	sdelay $0x4  }
0x3d: {  	v50 =	vshrl.u32 v3, $0x3  }
0x3e: {  	v4 =	vmul.u32 $0x30, v50  }
0x3f: {  	v3 =	vand.u32 $0x7, v3  }
0x40: {  	v3 =	vor.u32 v3, v4  }
0x41: {  	v4 =	vperm.xlane v3, v0;
	_ =	sdelay $0x1  }
0x42: {  	v4 =	vadd.s32 v1, v4;
	_ =	sdelay $0x3  }
0x43: {  	s15 =	simm.s32 $0x6080;
	v3 =	vperm.xlane v3, v2  }
0x44: {  	[tilespmem:s15], [sflag:$0x1] =	stream.indirect_vreg.gather [hbm4b:s3+s2], $0x80, v4, vm0, $0xb8;
	[tilespmem:$0xC080] =	vst v63  }
0x45: {  	s16 =	simm.s32 $0x6880;
	v3 =	vadd.s32 v1, v3  }
0x46: {  	[tilespmem:s16], [sflag:$0x1] =	stream.indirect_vreg.gather [hbm4b:s4+s2], $0x80, v4, vm0, $0xb8;
	[tilespmem:$0xC080] =	vst v63  }
0x47: {  	s17 =	simm.s32 $0x7080  }
0x48: {  	[tilespmem:s17], [sflag:$0x1] =	stream.indirect_vreg.gather [hbm4b:s5+s2], $0x80, v4, vm0, $0xb8;
	[tilespmem:$0xC080] =	vst v63  }
0x49: {  	s18 =	simm.s32 $0x7880  }
0x4a: {  	[tilespmem:s18], [sflag:$0x1] =	stream.indirect_vreg.gather [hbm4b:s3+s2], $0x80, v3, vm0, $0xb8;
	[tilespmem:$0xC080] =	vst v63  }
0x4b: {  	s19 =	simm.s32 $0x8080  }
0x4c: {  	[tilespmem:s19], [sflag:$0x1] =	stream.indirect_vreg.gather [hbm4b:s4+s2], $0x80, v3, vm0, $0xb8;
	[tilespmem:$0xC080] =	vst v63  }
0x4d: {  	s20 =	simm.s32 $0x8880  }
0x4e: {  	[tilespmem:s20], [sflag:$0x1] =	stream.indirect_vreg.gather [hbm4b:s5+s2], $0x80, v3, vm0, $0xb8;
	[tilespmem:$0xC080] =	vst v63  }
0x4f: {  	v3 =	vld [tilespmem:$0x30];
	_ =	sdelay $0x4  }
0x50: {  	v51 =	vshrl.u32 v3, $0x3  }
0x51: {  	v4 =	vmul.u32 $0x30, v51  }
0x52: {  	v3 =	vand.u32 $0x7, v3  }
0x53: {  	v3 =	vor.u32 v3, v4  }
0x54: {  	v4 =	vperm.xlane v3, v0;
	_ =	sdelay $0x1  }
0x55: {  	v4 =	vadd.s32 v1, v4;
	_ =	sdelay $0x3  }
0x56: {  	s21 =	simm.s32 $0x9080;
	v3 =	vperm.xlane v3, v2  }
0x57: {  	[tilespmem:s21], [sflag:$0x1] =	stream.indirect_vreg.gather [hbm4b:s3+s2], $0x80, v4, vm0, $0xb8;
	[tilespmem:$0xC080] =	vst v63  }
0x58: {  	s22 =	simm.s32 $0x9880;
	v3 =	vadd.s32 v1, v3  }
0x59: {  	[tilespmem:s22], [sflag:$0x1] =	stream.indirect_vreg.gather [hbm4b:s4+s2], $0x80, v4, vm0, $0xb8;
	[tilespmem:$0xC080] =	vst v63  }
0x5a: {  	s23 =	simm.s32 $0xA080  }
0x5b: {  	[tilespmem:s23], [sflag:$0x1] =	stream.indirect_vreg.gather [hbm4b:s5+s2], $0x80, v4, vm0, $0xb8;
	[tilespmem:$0xC080] =	vst v63  }
0x5c: {  	s24 =	simm.s32 $0xA880  }
0x5d: {  	[tilespmem:s24], [sflag:$0x1] =	stream.indirect_vreg.gather [hbm4b:s3+s2], $0x80, v3, vm0, $0xb8;
	[tilespmem:$0xC080] =	vst v63  }
0x5e: {  	s25 =	simm.s32 $0xB080  }
0x5f: {  	[tilespmem:s25], [sflag:$0x1] =	stream.indirect_vreg.gather [hbm4b:s4+s2], $0x80, v3, vm0, $0xb8;
	[tilespmem:$0xC080] =	vst v63  }
0x60: {  	s26 =	simm.s32 $0xB880  }
0x61: {  	[tilespmem:s26], [sflag:$0x1] =	stream.indirect_vreg.gather [hbm4b:s5+s2], $0x80, v3, vm0, $0xb8;
	[tilespmem:$0xC080] =	vst v63  }
0x62: {  	_ =	swait.ge [sflag:s1], $0xC000  }
0x63: {  	[sflag:s1] =	ssyncset.done $0x0  }
0x64: {  	s28 =	rddreg [dreg:$0x4];
	[sflag:s1] =	ssyncadd.s32 $0xFFFF4000  }
0x65: {  	[hbm4b:s28+s2] =	stream.linear.scatter [tilespmem:s31], [sflag:$0x2], $0xC000, $0x38;
	[tilespmem:$0xC080] =	vst v63  }
0x66: {  	_ =	swait.ge [sflag:s7], $0xC000  }
0x67: {  	[sflag:s7] =	ssyncset.done $0x0  }
0x68: {  	s29 =	rddreg [dreg:$0x5];
	[sflag:s7] =	ssyncadd.s32 $0xFFFF4000  }
0x69: {  	[tilespmem:s2], [sflag:$0x2] =	stream.linear.gather [hbm4b:s29+s2], $0x40, $0x38;
	[tilespmem:$0xC080] =	vst v63  }
0x6a: {  	_ =	swait.ge [sflag:s7], $0x40  }
0x6b: {  	[sflag:s7] =	ssyncset.done $0x0  }
0x6c: {  	[sflag:s7] =	ssyncadd.s32 $0xFFFFFFC0  }
0x6d: {  	v3 =	vld [tilespmem:$0x0];
	_ =	sdelay $0x4  }
0x6e: {  	v52 =	vshrl.u32 v3, $0x3  }
0x6f: {  	v4 =	vmul.u32 $0x30, v52  }
0x70: {  	v3 =	vand.u32 $0x7, v3  }
0x71: {  	v3 =	vor.u32 v3, v4  }
0x72: {  	v4 =	vperm.xlane v3, v0;
	_ =	sdelay $0x1  }
0x73: {  	v4 =	vadd.s32 v1, v4;
	_ =	sdelay $0x3  }
0x74: {  	v3 =	vperm.xlane v3, v2  }
0x75: {  	[tilespmem:s31], [sflag:$0x1] =	stream.indirect_vreg.gather [hbm4b:s3+s2], $0x80, v4, vm0, $0xb8;
	[tilespmem:$0xC080] =	vst v63  }
0x76: {  	s0 =	simm.s32 $0x880;
	v3 =	vadd.s32 v1, v3  }
0x77: {  	[tilespmem:s0], [sflag:$0x1] =	stream.indirect_vreg.gather [hbm4b:s4+s2], $0x80, v4, vm0, $0xb8;
	[tilespmem:$0xC080] =	vst v63  }
0x78: {  	s8 =	simm.s32 $0x1080  }
0x79: {  	[tilespmem:s8], [sflag:$0x1] =	stream.indirect_vreg.gather [hbm4b:s5+s2], $0x80, v4, vm0, $0xb8;
	[tilespmem:$0xC080] =	vst v63  }
0x7a: {  	s10 =	simm.s32 $0x1880  }
0x7b: {  	[tilespmem:s10], [sflag:$0x1] =	stream.indirect_vreg.gather [hbm4b:s3+s2], $0x80, v3, vm0, $0xb8;
	[tilespmem:$0xC080] =	vst v63  }
0x7c: {  	s11 =	simm.s32 $0x2080  }
0x7d: {  	[tilespmem:s11], [sflag:$0x1] =	stream.indirect_vreg.gather [hbm4b:s4+s2], $0x80, v3, vm0, $0xb8;
	[tilespmem:$0xC080] =	vst v63  }
0x7e: {  	s12 =	simm.s32 $0x2880  }
0x7f: {  	[tilespmem:s12], [sflag:$0x1] =	stream.indirect_vreg.gather [hbm4b:s5+s2], $0x80, v3, vm0, $0xb8;
	[tilespmem:$0xC080] =	vst v63  }
0x80: {  	v3 =	vld [tilespmem:$0x10];
	_ =	sdelay $0x4  }
0x81: {  	v53 =	vshrl.u32 v3, $0x3  }
0x82: {  	v4 =	vmul.u32 $0x30, v53  }
0x83: {  	v3 =	vand.u32 $0x7, v3  }
0x84: {  	v3 =	vor.u32 v3, v4  }
0x85: {  	v4 =	vperm.xlane v3, v0;
	_ =	sdelay $0x1  }
0x86: {  	v4 =	vadd.s32 v1, v4;
	_ =	sdelay $0x3  }
0x87: {  	s13 =	simm.s32 $0x3080;
	v3 =	vperm.xlane v3, v2  }
0x88: {  	[tilespmem:s13], [sflag:$0x1] =	stream.indirect_vreg.gather [hbm4b:s3+s2], $0x80, v4, vm0, $0xb8;
	[tilespmem:$0xC080] =	vst v63  }
0x89: {  	s14 =	simm.s32 $0x3880;
	v3 =	vadd.s32 v1, v3  }
0x8a: {  	[tilespmem:s14], [sflag:$0x1] =	stream.indirect_vreg.gather [hbm4b:s4+s2], $0x80, v4, vm0, $0xb8;
	[tilespmem:$0xC080] =	vst v63  }
0x8b: {  	s15 =	simm.s32 $0x4080  }
0x8c: {  	[tilespmem:s15], [sflag:$0x1] =	stream.indirect_vreg.gather [hbm4b:s5+s2], $0x80, v4, vm0, $0xb8;
	[tilespmem:$0xC080] =	vst v63  }
0x8d: {  	s16 =	simm.s32 $0x4880  }
0x8e: {  	[tilespmem:s16], [sflag:$0x1] =	stream.indirect_vreg.gather [hbm4b:s3+s2], $0x80, v3, vm0, $0xb8;
	[tilespmem:$0xC080] =	vst v63  }
0x8f: {  	s17 =	simm.s32 $0x5080  }
0x90: {  	[tilespmem:s17], [sflag:$0x1] =	stream.indirect_vreg.gather [hbm4b:s4+s2], $0x80, v3, vm0, $0xb8;
	[tilespmem:$0xC080] =	vst v63  }
0x91: {  	s18 =	simm.s32 $0x5880  }
0x92: {  	[tilespmem:s18], [sflag:$0x1] =	stream.indirect_vreg.gather [hbm4b:s5+s2], $0x80, v3, vm0, $0xb8;
	[tilespmem:$0xC080] =	vst v63  }
0x93: {  	v3 =	vld [tilespmem:$0x20];
	_ =	sdelay $0x4  }
0x94: {  	v54 =	vshrl.u32 v3, $0x3  }
0x95: {  	v4 =	vmul.u32 $0x30, v54  }
0x96: {  	v3 =	vand.u32 $0x7, v3  }
0x97: {  	v3 =	vor.u32 v3, v4  }
0x98: {  	v4 =	vperm.xlane v3, v0;
	_ =	sdelay $0x1  }
0x99: {  	v4 =	vadd.s32 v1, v4;
	_ =	sdelay $0x3  }
0x9a: {  	s19 =	simm.s32 $0x6080;
	v3 =	vperm.xlane v3, v2  }
0x9b: {  	[tilespmem:s19], [sflag:$0x1] =	stream.indirect_vreg.gather [hbm4b:s3+s2], $0x80, v4, vm0, $0xb8;
	[tilespmem:$0xC080] =	vst v63  }
0x9c: {  	s20 =	simm.s32 $0x6880;
	v3 =	vadd.s32 v1, v3  }
0x9d: {  	[tilespmem:s20], [sflag:$0x1] =	stream.indirect_vreg.gather [hbm4b:s4+s2], $0x80, v4, vm0, $0xb8;
	[tilespmem:$0xC080] =	vst v63  }
0x9e: {  	s21 =	simm.s32 $0x7080  }
0x9f: {  	[tilespmem:s21], [sflag:$0x1] =	stream.indirect_vreg.gather [hbm4b:s5+s2], $0x80, v4, vm0, $0xb8;
	[tilespmem:$0xC080] =	vst v63  }
0xa0: {  	s22 =	simm.s32 $0x7880  }
0xa1: {  	[tilespmem:s22], [sflag:$0x1] =	stream.indirect_vreg.gather [hbm4b:s3+s2], $0x80, v3, vm0, $0xb8;
	[tilespmem:$0xC080] =	vst v63  }
0xa2: {  	s23 =	simm.s32 $0x8080  }
0xa3: {  	[tilespmem:s23], [sflag:$0x1] =	stream.indirect_vreg.gather [hbm4b:s4+s2], $0x80, v3, vm0, $0xb8;
	[tilespmem:$0xC080] =	vst v63  }
0xa4: {  	s24 =	simm.s32 $0x8880  }
0xa5: {  	[tilespmem:s24], [sflag:$0x1] =	stream.indirect_vreg.gather [hbm4b:s5+s2], $0x80, v3, vm0, $0xb8;
	[tilespmem:$0xC080] =	vst v63  }
0xa6: {  	v3 =	vld [tilespmem:$0x30];
	_ =	sdelay $0x4  }
0xa7: {  	v55 =	vshrl.u32 v3, $0x3  }
0xa8: {  	v4 =	vmul.u32 $0x30, v55  }
0xa9: {  	v3 =	vand.u32 $0x7, v3  }
0xaa: {  	v3 =	vor.u32 v3, v4  }
0xab: {  	v4 =	vperm.xlane v3, v0;
	_ =	sdelay $0x1  }
0xac: {  	v4 =	vadd.s32 v1, v4;
	_ =	sdelay $0x3  }
0xad: {  	s25 =	simm.s32 $0x9080;
	v3 =	vperm.xlane v3, v2  }
0xae: {  	[tilespmem:s25], [sflag:$0x1] =	stream.indirect_vreg.gather [hbm4b:s3+s2], $0x80, v4, vm0, $0xb8;
	[tilespmem:$0xC080] =	vst v63  }
0xaf: {  	s26 =	simm.s32 $0x9880;
	v3 =	vadd.s32 v1, v3  }
0xb0: {  	[tilespmem:s26], [sflag:$0x1] =	stream.indirect_vreg.gather [hbm4b:s4+s2], $0x80, v4, vm0, $0xb8;
	[tilespmem:$0xC080] =	vst v63  }
0xb1: {  	s28 =	simm.s32 $0xA080  }
0xb2: {  	[tilespmem:s28], [sflag:$0x1] =	stream.indirect_vreg.gather [hbm4b:s5+s2], $0x80, v4, vm0, $0xb8;
	[tilespmem:$0xC080] =	vst v63  }
0xb3: {  	s29 =	simm.s32 $0xA880  }
0xb4: {  	[tilespmem:s29], [sflag:$0x1] =	stream.indirect_vreg.gather [hbm4b:s3+s2], $0x80, v3, vm0, $0xb8;
	[tilespmem:$0xC080] =	vst v63  }
0xb5: {  	s9 =	simm.s32 $0xB080  }
0xb6: {  	[tilespmem:s9], [sflag:$0x1] =	stream.indirect_vreg.gather [hbm4b:s4+s2], $0x80, v3, vm0, $0xb8;
	[tilespmem:$0xC080] =	vst v63  }
0xb7: {  	s30 =	simm.s32 $0xB880  }
0xb8: {  	[tilespmem:s30], [sflag:$0x1] =	stream.indirect_vreg.gather [hbm4b:s5+s2], $0x80, v3, vm0, $0xb8;
	[tilespmem:$0xC080] =	vst v63  }
0xb9: {  	_ =	swait.ge [sflag:s1], $0xC000  }
0xba: {  	[sflag:s1] =	ssyncset.done $0x0  }
0xbb: {  	s30 =	rddreg [dreg:$0x6];
	[sflag:s1] =	ssyncadd.s32 $0xFFFF4000  }
0xbc: {  	[hbm4b:s30+s2] =	stream.linear.scatter [tilespmem:s31], [sflag:$0x2], $0xC000, $0x38;
	[tilespmem:$0xC080] =	vst v63  }
0xbd: {  	_ =	swait.ge [sflag:s7], $0xC000  }
0xbe: {  	[sflag:s7] =	ssyncset.done $0x0  }
0xbf: {  	s30 =	rddreg [dreg:$0x7];
	[sflag:s7] =	ssyncadd.s32 $0xFFFF4000  }
0xc0: {  	[tilespmem:s2], [sflag:$0x2] =	stream.linear.gather [hbm4b:s30+s2], $0x40, $0x38;
	[tilespmem:$0xC080] =	vst v63  }
0xc1: {  	_ =	swait.ge [sflag:s7], $0x40  }
0xc2: {  	[sflag:s7] =	ssyncset.done $0x0  }
0xc3: {  	[sflag:s7] =	ssyncadd.s32 $0xFFFFFFC0  }
0xc4: {  	v3 =	vld [tilespmem:$0x0];
	_ =	sdelay $0x4  }
0xc5: {  	v56 =	vshrl.u32 v3, $0x3  }
0xc6: {  	v4 =	vmul.u32 $0x30, v56  }
0xc7: {  	v3 =	vand.u32 $0x7, v3  }
0xc8: {  	v3 =	vor.u32 v3, v4  }
0xc9: {  	v4 =	vperm.xlane v3, v0;
	_ =	sdelay $0x1  }
0xca: {  	v4 =	vadd.s32 v1, v4;
	_ =	sdelay $0x3  }
0xcb: {  	v3 =	vperm.xlane v3, v2  }
0xcc: {  	[tilespmem:s31], [sflag:$0x1] =	stream.indirect_vreg.gather [hbm4b:s3+s2], $0x80, v4, vm0, $0xb8;
	[tilespmem:$0xC080] =	vst v63  }
0xcd: {  	v3 =	vadd.s32 v1, v3  }
0xce: {  	[tilespmem:s0], [sflag:$0x1] =	stream.indirect_vreg.gather [hbm4b:s4+s2], $0x80, v4, vm0, $0xb8;
	[tilespmem:$0xC080] =	vst v63  }
0xcf: {  	_ = 	snop  }
0xd0: {  	[tilespmem:s8], [sflag:$0x1] =	stream.indirect_vreg.gather [hbm4b:s5+s2], $0x80, v4, vm0, $0xb8;
	[tilespmem:$0xC080] =	vst v63  }
0xd1: {  	_ = 	snop  }
0xd2: {  	[tilespmem:s10], [sflag:$0x1] =	stream.indirect_vreg.gather [hbm4b:s3+s2], $0x80, v3, vm0, $0xb8;
	[tilespmem:$0xC080] =	vst v63  }
0xd3: {  	_ = 	snop  }
0xd4: {  	[tilespmem:s11], [sflag:$0x1] =	stream.indirect_vreg.gather [hbm4b:s4+s2], $0x80, v3, vm0, $0xb8;
	[tilespmem:$0xC080] =	vst v63  }
0xd5: {  	_ = 	snop  }
0xd6: {  	[tilespmem:s12], [sflag:$0x1] =	stream.indirect_vreg.gather [hbm4b:s5+s2], $0x80, v3, vm0, $0xb8;
	[tilespmem:$0xC080] =	vst v63  }
0xd7: {  	v3 =	vld [tilespmem:$0x10];
	_ =	sdelay $0x4  }
0xd8: {  	v57 =	vshrl.u32 v3, $0x3  }
0xd9: {  	v4 =	vmul.u32 $0x30, v57  }
0xda: {  	v3 =	vand.u32 $0x7, v3  }
0xdb: {  	v3 =	vor.u32 v3, v4  }
0xdc: {  	v4 =	vperm.xlane v3, v0;
	_ =	sdelay $0x1  }
0xdd: {  	v4 =	vadd.s32 v1, v4;
	_ =	sdelay $0x3  }
0xde: {  	v3 =	vperm.xlane v3, v2  }
0xdf: {  	[tilespmem:s13], [sflag:$0x1] =	stream.indirect_vreg.gather [hbm4b:s3+s2], $0x80, v4, vm0, $0xb8;
	[tilespmem:$0xC080] =	vst v63  }
0xe0: {  	v3 =	vadd.s32 v1, v3  }
0xe1: {  	[tilespmem:s14], [sflag:$0x1] =	stream.indirect_vreg.gather [hbm4b:s4+s2], $0x80, v4, vm0, $0xb8;
	[tilespmem:$0xC080] =	vst v63  }
0xe2: {  	_ = 	snop  }
0xe3: {  	[tilespmem:s15], [sflag:$0x1] =	stream.indirect_vreg.gather [hbm4b:s5+s2], $0x80, v4, vm0, $0xb8;
	[tilespmem:$0xC080] =	vst v63  }
0xe4: {  	_ = 	snop  }
0xe5: {  	[tilespmem:s16], [sflag:$0x1] =	stream.indirect_vreg.gather [hbm4b:s3+s2], $0x80, v3, vm0, $0xb8;
	[tilespmem:$0xC080] =	vst v63  }
0xe6: {  	_ = 	snop  }
0xe7: {  	[tilespmem:s17], [sflag:$0x1] =	stream.indirect_vreg.gather [hbm4b:s4+s2], $0x80, v3, vm0, $0xb8;
	[tilespmem:$0xC080] =	vst v63  }
0xe8: {  	_ = 	snop  }
0xe9: {  	[tilespmem:s18], [sflag:$0x1] =	stream.indirect_vreg.gather [hbm4b:s5+s2], $0x80, v3, vm0, $0xb8;
	[tilespmem:$0xC080] =	vst v63  }
0xea: {  	v3 =	vld [tilespmem:$0x20];
	_ =	sdelay $0x4  }
0xeb: {  	v58 =	vshrl.u32 v3, $0x3  }
0xec: {  	v4 =	vmul.u32 $0x30, v58  }
0xed: {  	v3 =	vand.u32 $0x7, v3  }
0xee: {  	v3 =	vor.u32 v3, v4  }
0xef: {  	v4 =	vperm.xlane v3, v0;
	_ =	sdelay $0x1  }
0xf0: {  	v4 =	vadd.s32 v1, v4;
	_ =	sdelay $0x3  }
0xf1: {  	v3 =	vperm.xlane v3, v2  }
0xf2: {  	[tilespmem:s19], [sflag:$0x1] =	stream.indirect_vreg.gather [hbm4b:s3+s2], $0x80, v4, vm0, $0xb8;
	[tilespmem:$0xC080] =	vst v63  }
0xf3: {  	v3 =	vadd.s32 v1, v3  }
0xf4: {  	[tilespmem:s20], [sflag:$0x1] =	stream.indirect_vreg.gather [hbm4b:s4+s2], $0x80, v4, vm0, $0xb8;
	[tilespmem:$0xC080] =	vst v63  }
0xf5: {  	_ = 	snop  }
0xf6: {  	[tilespmem:s21], [sflag:$0x1] =	stream.indirect_vreg.gather [hbm4b:s5+s2], $0x80, v4, vm0, $0xb8;
	[tilespmem:$0xC080] =	vst v63  }
0xf7: {  	_ = 	snop  }
0xf8: {  	[tilespmem:s22], [sflag:$0x1] =	stream.indirect_vreg.gather [hbm4b:s3+s2], $0x80, v3, vm0, $0xb8;
	[tilespmem:$0xC080] =	vst v63  }
0xf9: {  	_ = 	snop  }
0xfa: {  	[tilespmem:s23], [sflag:$0x1] =	stream.indirect_vreg.gather [hbm4b:s4+s2], $0x80, v3, vm0, $0xb8;
	[tilespmem:$0xC080] =	vst v63  }
0xfb: {  	_ = 	snop  }
0xfc: {  	[tilespmem:s24], [sflag:$0x1] =	stream.indirect_vreg.gather [hbm4b:s5+s2], $0x80, v3, vm0, $0xb8;
	[tilespmem:$0xC080] =	vst v63  }
0xfd: {  	v3 =	vld [tilespmem:$0x30];
	_ =	sdelay $0x4  }
0xfe: {  	v59 =	vshrl.u32 v3, $0x3  }
0xff: {  	v4 =	vmul.u32 $0x30, v59  }
0x100: {  	v3 =	vand.u32 $0x7, v3  }
0x101: {  	v3 =	vor.u32 v3, v4  }
0x102: {  	v4 =	vperm.xlane v3, v0;
	_ =	sdelay $0x1  }
0x103: {  	v4 =	vadd.s32 v1, v4;
	_ =	sdelay $0x3  }
0x104: {  	v3 =	vperm.xlane v3, v2  }
0x105: {  	[tilespmem:s25], [sflag:$0x1] =	stream.indirect_vreg.gather [hbm4b:s3+s2], $0x80, v4, vm0, $0xb8;
	[tilespmem:$0xC080] =	vst v63  }
0x106: {  	v3 =	vadd.s32 v1, v3  }
0x107: {  	[tilespmem:s26], [sflag:$0x1] =	stream.indirect_vreg.gather [hbm4b:s4+s2], $0x80, v4, vm0, $0xb8;
	[tilespmem:$0xC080] =	vst v63  }
0x108: {  	_ = 	snop  }
0x109: {  	[tilespmem:s28], [sflag:$0x1] =	stream.indirect_vreg.gather [hbm4b:s5+s2], $0x80, v4, vm0, $0xb8;
	[tilespmem:$0xC080] =	vst v63  }
0x10a: {  	_ = 	snop  }
0x10b: {  	[tilespmem:s29], [sflag:$0x1] =	stream.indirect_vreg.gather [hbm4b:s3+s2], $0x80, v3, vm0, $0xb8;
	[tilespmem:$0xC080] =	vst v63  }
0x10c: {  	s30 =	simm.s32 $0xB080  }
0x10d: {  	[tilespmem:s30], [sflag:$0x1] =	stream.indirect_vreg.gather [hbm4b:s4+s2], $0x80, v3, vm0, $0xb8;
	[tilespmem:$0xC080] =	vst v63  }
0x10e: {  	s9 =	simm.s32 $0xB880  }
0x10f: {  	[tilespmem:s9], [sflag:$0x1] =	stream.indirect_vreg.gather [hbm4b:s5+s2], $0x80, v3, vm0, $0xb8;
	[tilespmem:$0xC080] =	vst v63  }
0x110: {  	_ =	swait.ge [sflag:s1], $0xC000  }
0x111: {  	[sflag:s1] =	ssyncset.done $0x0  }
0x112: {  	s9 =	rddreg [dreg:$0x8];
	[sflag:s1] =	ssyncadd.s32 $0xFFFF4000  }
0x113: {  	[hbm4b:s9+s2] =	stream.linear.scatter [tilespmem:s31], [sflag:$0x2], $0xC000, $0x38;
	[tilespmem:$0xC080] =	vst v63  }
0x114: {  	_ =	swait.ge [sflag:s7], $0xC000  }
0x115: {  	[sflag:s7] =	ssyncset.done $0x0  }
0x116: {  	s9 =	rddreg [dreg:$0x9];
	[sflag:s7] =	ssyncadd.s32 $0xFFFF4000  }
0x117: {  	[tilespmem:s2], [sflag:$0x2] =	stream.linear.gather [hbm4b:s9+s2], $0x40, $0x38;
	[tilespmem:$0xC080] =	vst v63  }
0x118: {  	_ =	swait.ge [sflag:s7], $0x40  }
0x119: {  	[sflag:s7] =	ssyncset.done $0x0  }
0x11a: {  	[sflag:s7] =	ssyncadd.s32 $0xFFFFFFC0  }
0x11b: {  	v3 =	vld [tilespmem:$0x0];
	_ =	sdelay $0x4  }
0x11c: {  	v60 =	vshrl.u32 v3, $0x3  }
0x11d: {  	v4 =	vmul.u32 $0x30, v60  }
0x11e: {  	v3 =	vand.u32 $0x7, v3  }
0x11f: {  	v3 =	vor.u32 v3, v4  }
0x120: {  	v4 =	vperm.xlane v3, v0;
	_ =	sdelay $0x1  }
0x121: {  	v4 =	vadd.s32 v1, v4;
	_ =	sdelay $0x3  }
0x122: {  	v3 =	vperm.xlane v3, v2  }
0x123: {  	[tilespmem:s31], [sflag:$0x1] =	stream.indirect_vreg.gather [hbm4b:s3+s2], $0x80, v4, vm0, $0xb8;
	[tilespmem:$0xC080] =	vst v63  }
0x124: {  	s0 =	simm.s32 $0x880;
	v3 =	vadd.s32 v1, v3  }
0x125: {  	[tilespmem:s0], [sflag:$0x1] =	stream.indirect_vreg.gather [hbm4b:s4+s2], $0x80, v4, vm0, $0xb8;
	[tilespmem:$0xC080] =	vst v63  }
0x126: {  	s8 =	simm.s32 $0x1080  }
0x127: {  	[tilespmem:s8], [sflag:$0x1] =	stream.indirect_vreg.gather [hbm4b:s5+s2], $0x80, v4, vm0, $0xb8;
	[tilespmem:$0xC080] =	vst v63  }
0x128: {  	s10 =	simm.s32 $0x1880  }
0x129: {  	[tilespmem:s10], [sflag:$0x1] =	stream.indirect_vreg.gather [hbm4b:s3+s2], $0x80, v3, vm0, $0xb8;
	[tilespmem:$0xC080] =	vst v63  }
0x12a: {  	s11 =	simm.s32 $0x2080  }
0x12b: {  	[tilespmem:s11], [sflag:$0x1] =	stream.indirect_vreg.gather [hbm4b:s4+s2], $0x80, v3, vm0, $0xb8;
	[tilespmem:$0xC080] =	vst v63  }
0x12c: {  	s12 =	simm.s32 $0x2880  }
0x12d: {  	[tilespmem:s12], [sflag:$0x1] =	stream.indirect_vreg.gather [hbm4b:s5+s2], $0x80, v3, vm0, $0xb8;
	[tilespmem:$0xC080] =	vst v63  }
0x12e: {  	v3 =	vld [tilespmem:$0x10];
	_ =	sdelay $0x4  }
0x12f: {  	v61 =	vshrl.u32 v3, $0x3  }
0x130: {  	v4 =	vmul.u32 $0x30, v61  }
0x131: {  	v3 =	vand.u32 $0x7, v3  }
0x132: {  	v3 =	vor.u32 v3, v4  }
0x133: {  	v4 =	vperm.xlane v3, v0;
	_ =	sdelay $0x1  }
0x134: {  	v4 =	vadd.s32 v1, v4;
	_ =	sdelay $0x3  }
0x135: {  	s13 =	simm.s32 $0x3080;
	v3 =	vperm.xlane v3, v2  }
0x136: {  	[tilespmem:s13], [sflag:$0x1] =	stream.indirect_vreg.gather [hbm4b:s3+s2], $0x80, v4, vm0, $0xb8;
	[tilespmem:$0xC080] =	vst v63  }
0x137: {  	s14 =	simm.s32 $0x3880;
	v3 =	vadd.s32 v1, v3  }
0x138: {  	[tilespmem:s14], [sflag:$0x1] =	stream.indirect_vreg.gather [hbm4b:s4+s2], $0x80, v4, vm0, $0xb8;
	[tilespmem:$0xC080] =	vst v63  }
0x139: {  	s15 =	simm.s32 $0x4080  }
0x13a: {  	[tilespmem:s15], [sflag:$0x1] =	stream.indirect_vreg.gather [hbm4b:s5+s2], $0x80, v4, vm0, $0xb8;
	[tilespmem:$0xC080] =	vst v63  }
0x13b: {  	s16 =	simm.s32 $0x4880  }
0x13c: {  	[tilespmem:s16], [sflag:$0x1] =	stream.indirect_vreg.gather [hbm4b:s3+s2], $0x80, v3, vm0, $0xb8;
	[tilespmem:$0xC080] =	vst v63  }
0x13d: {  	s17 =	simm.s32 $0x5080  }
0x13e: {  	[tilespmem:s17], [sflag:$0x1] =	stream.indirect_vreg.gather [hbm4b:s4+s2], $0x80, v3, vm0, $0xb8;
	[tilespmem:$0xC080] =	vst v63  }
0x13f: {  	s18 =	simm.s32 $0x5880  }
0x140: {  	[tilespmem:s18], [sflag:$0x1] =	stream.indirect_vreg.gather [hbm4b:s5+s2], $0x80, v3, vm0, $0xb8;
	[tilespmem:$0xC080] =	vst v63  }
0x141: {  	v3 =	vld [tilespmem:$0x20];
	_ =	sdelay $0x4  }
0x142: {  	v62 =	vshrl.u32 v3, $0x3  }
0x143: {  	v4 =	vmul.u32 $0x30, v62  }
0x144: {  	v3 =	vand.u32 $0x7, v3  }
0x145: {  	v3 =	vor.u32 v3, v4  }
0x146: {  	v4 =	vperm.xlane v3, v0;
	_ =	sdelay $0x1  }
0x147: {  	v4 =	vadd.s32 v1, v4;
	_ =	sdelay $0x3  }
0x148: {  	s19 =	simm.s32 $0x6080;
	v3 =	vperm.xlane v3, v2  }
0x149: {  	[tilespmem:s19], [sflag:$0x1] =	stream.indirect_vreg.gather [hbm4b:s3+s2], $0x80, v4, vm0, $0xb8;
	[tilespmem:$0xC080] =	vst v63  }
0x14a: {  	s20 =	simm.s32 $0x6880;
	v3 =	vadd.s32 v1, v3  }
0x14b: {  	[tilespmem:s20], [sflag:$0x1] =	stream.indirect_vreg.gather [hbm4b:s4+s2], $0x80, v4, vm0, $0xb8;
	[tilespmem:$0xC080] =	vst v63  }
0x14c: {  	s21 =	simm.s32 $0x7080  }
0x14d: {  	[tilespmem:s21], [sflag:$0x1] =	stream.indirect_vreg.gather [hbm4b:s5+s2], $0x80, v4, vm0, $0xb8;
	[tilespmem:$0xC080] =	vst v63  }
0x14e: {  	s22 =	simm.s32 $0x7880  }
0x14f: {  	[tilespmem:s22], [sflag:$0x1] =	stream.indirect_vreg.gather [hbm4b:s3+s2], $0x80, v3, vm0, $0xb8;
	[tilespmem:$0xC080] =	vst v63  }
0x150: {  	s23 =	simm.s32 $0x8080  }
0x151: {  	[tilespmem:s23], [sflag:$0x1] =	stream.indirect_vreg.gather [hbm4b:s4+s2], $0x80, v3, vm0, $0xb8;
	[tilespmem:$0xC080] =	vst v63  }
0x152: {  	s24 =	simm.s32 $0x8880  }
0x153: {  	[tilespmem:s24], [sflag:$0x1] =	stream.indirect_vreg.gather [hbm4b:s5+s2], $0x80, v3, vm0, $0xb8;
	[tilespmem:$0xC080] =	vst v63  }
0x154: {  	v3 =	vld [tilespmem:$0x30];
	_ =	sdelay $0x4  }
0x155: {  	v63 =	vshrl.u32 v3, $0x3  }
0x156: {  	v4 =	vmul.u32 $0x30, v63  }
0x157: {  	v3 =	vand.u32 $0x7, v3  }
0x158: {  	v3 =	vor.u32 v3, v4  }
0x159: {  	v4 =	vperm.xlane v3, v0;
	_ =	sdelay $0x1  }
0x15a: {  	v4 =	vadd.s32 v1, v4;
	_ =	sdelay $0x3  }
0x15b: {  	s25 =	simm.s32 $0x9080;
	v3 =	vperm.xlane v3, v2  }
0x15c: {  	[tilespmem:s25], [sflag:$0x1] =	stream.indirect_vreg.gather [hbm4b:s3+s2], $0x80, v4, vm0, $0xb8;
	[tilespmem:$0xC080] =	vst v63  }
0x15d: {  	s26 =	simm.s32 $0x9880;
	v3 =	vadd.s32 v1, v3  }
0x15e: {  	[tilespmem:s26], [sflag:$0x1] =	stream.indirect_vreg.gather [hbm4b:s4+s2], $0x80, v4, vm0, $0xb8;
	[tilespmem:$0xC080] =	vst v63  }
0x15f: {  	s28 =	simm.s32 $0xA080  }
0x160: {  	[tilespmem:s28], [sflag:$0x1] =	stream.indirect_vreg.gather [hbm4b:s5+s2], $0x80, v4, vm0, $0xb8;
	[tilespmem:$0xC080] =	vst v63  }
0x161: {  	s29 =	simm.s32 $0xA880  }
0x162: {  	[tilespmem:s29], [sflag:$0x1] =	stream.indirect_vreg.gather [hbm4b:s3+s2], $0x80, v3, vm0, $0xb8;
	[tilespmem:$0xC080] =	vst v63  }
0x163: {  	s30 =	simm.s32 $0xB080  }
0x164: {  	[tilespmem:s30], [sflag:$0x1] =	stream.indirect_vreg.gather [hbm4b:s4+s2], $0x80, v3, vm0, $0xb8;
	[tilespmem:$0xC080] =	vst v63  }
0x165: {  	s29 =	simm.s32 $0xB880  }
0x166: {  	[tilespmem:s29], [sflag:$0x1] =	stream.indirect_vreg.gather [hbm4b:s5+s2], $0x80, v3, vm0, $0xb8;
	[tilespmem:$0xC080] =	vst v63  }
0x167: {  	_ =	swait.ge [sflag:s1], $0xC000  }
0x168: {  	p0 =	sne.s32 s6, $0x1;
	[sflag:s1] =	ssyncset.done $0x0  }
.Ltmp0:
0x169: {  	s30 =	rddreg [dreg:$0xa];
	[sflag:s1] =	ssyncadd.s32 $0xFFFF4000;
	(pc) =	sbr.rel @p0 .LBB2_1-.Ltmp0, $4  }
0x16a: {  	[hbm4b:s30+s2] =	stream.linear.scatter [tilespmem:s31], [sflag:$0x2], $0xC000, $0x38;
	[tilespmem:$0xC080] =	vst v63  }
0x16b: {  	_ =	swait.ge [sflag:s7], $0xC000  }
0x16c: {  	[sflag:s7] =	ssyncset.done $0x0  }
0x16d: {  	s6 =	sadd.s32 $0xFFFFFFFF, s6;
	[sflag:s7] =	ssyncadd.s32 $0xFFFF4000  }
0x16e: {  	_ =	sfence.sel $0x180000  }
0x16f: {  	[bflag:$0x0] =	sbarrier.arrive $0xFFFF  }
0x170: {  	_ =	strace $0x9000004A  }
0x171: {  	s0 =	stileid.u32;
	[bflag:$0x2] =	sbarrier.arrive $0xFFFF  }
0x172: {  	p0 =	sne.s32 s0, $0x0;
	s0 =	rddreg [dreg:$0x2]  }
0x173: {  	s0 =	sadd.s32 @!p0 $0x100000, s0  }
0x174: {  	[sflag:s0] =	ssyncadd.tile.s32 @!p0 $0x1;
	_ =	shalt  }
.Lfunc_end2:
_tile_overlayer_lowered:
.L_overlay_start_2:
0x175: {  	(tag) =	ssettag $0x2  }
0x176: {  	s0 =	rddreg [dreg:$0x0];
	s2 =	stileid.u32  }
0x177: {  	s1 =	rddreg [dreg:$0x1];
	p0 =	sne.s32 s2, $0x0  }
0x178: {  	s3 =	rddreg [dreg:$0x2];
	[bflag:$0x3] =	sbarrier.arrive $0xFFFF;
	s2 =	simm.s32 @!p0 $0x1C02  }
0x179: {  	[timem:s3], [sflag:s2] =	dma.local @!p0 [hbm:s0], s1  }
0x17a: {  	s0 =	simm.s32 @!p0 $0x2  }
0x17b: {  	_ =	swait.ge @!p0 [sflag:s0], s1  }
0x17c: {  	s1 =	ssub.s32 @!p0 $0x0, s1;
	[sflag:s0] =	ssyncset.done @!p0 $0x0  }
0x17d: {  	[sflag:s0] =	ssyncadd.s32 @!p0 s1  }
0x17e: {  	[bflag:$0x3] =	sbarrier.arrive $0xFFFF  }
0x17f: {  	_ =	shalt  }

// kernel: kernel.7.cloned.1.call-start
scs
__scs_entry_jumppad:
0x0: {  	(pc) =	sbr.rel $0x88, $3  }
0x1: {  	(tag) =	ssettag $0x0;
	lr =	simm.s32 $0x1  }
0x2: {  	[smem:$0x3F98] =	sst lr;
	_ =	strace $0xD0000000  }
0x3: {  	_ = 	snop  }
0x4: {  	_ = 	snop  }
0x5: {  	_ = 	snop  }
0x6: {  	_ = 	snop  }
0x7: {  	_ = 	snop  }
__scs_overlays_trampoline_lowered:
0x8: {  	[smem:$0x3FA7] =	sst s0  }
0x9: {  	[smem:$0x3FA8] =	sst s1  }
0xa: {  	[smem:$0x3FA9] =	sst s2  }
0xb: {  	[smem:$0x3FAA] =	sst s3  }
0xc: {  	[smem:$0x3FAB] =	sst s4  }
0xd: {  	[smem:$0x3FAC] =	sst s5  }
0xe: {  	[smem:$0x3FAD] =	sst s6  }
0xf: {  	[smem:$0x3FAE] =	sst s7  }
0x10: {  	[smem:$0x3FAF] =	sst s8  }
0x11: {  	[smem:$0x3FB0] =	sst s9;
	s0 =	simm.s32 @!p0 $0x0  }
0x12: {  	s1 =	sld [smem:$0x3F96];
	s0 =	simm.s32 @p0 $0x1  }
0x13: {  	[smem:$0x3FB1] =	sst s0;
	s0 =	simm.s32 @!p1 $0x0  }
0x14: {  	s2 =	sld [smem:$0x3F95];
	s0 =	simm.s32 @p1 $0x1  }
0x15: {  	[smem:$0x3FB2] =	sst s0;
	s0 =	simm.s32 @!p2 $0x0  }
0x16: {  	s3 =	sld [smem:$0x3FDB];
	s0 =	simm.s32 @p2 $0x1  }
0x17: {  	s4 =	simm.s32 $0x1BF5;
	[smem:$0x3FB4] =	sst s0  }
0x18: {  	s0 =	sld [smem:$0x3F97];
	_ =	swait.ge [sflag:s4], $0x0  }
0x19: {  	s7 =	sld [smem:$0x3F98]  }
0x1a: {  	s8 =	sadd.s32 $0xFFFFE003, lr  }
0x1b: {  	s9 =	sadd.s32 $0xFFFFFEF7, lr;
	s5 =	simm.s32 $0xFFFFFFFF;
	p2 =	slt.u32 s8, $0xFFFFF086  }
0x1c: {  	p1 =	slt.u32 s9, $0xF7A;
	s5 =	simm.s32 @!p2 $0x0  }
0x1d: {  	s5 =	simm.s32 @p1 $0x1;
	p0 =	seq.s32 s7, s2  }
0x1e: {  	s7 =	smul.u32 @!p0 $0xF7A, s2;
	p2 =	seq.s32 @!p0 s5, $0x0  }
0x1f: {  	s9 =	smul.u32 $0xF7A, s1;
	s8 =	simm.s32 @!p0 $0x1BF5;
	p2 =	por !p2, p0  }
0x20: {  	[sflag:s8] =	ssyncset.s32 @!p0 $0xFFFFF086;
	s6 =	sadd.s32 @!p0 s3, s7;
	s7 =	simm.s32 @!p0 $0x108  }
0x21: {  	s3 =	sadd.s32 s3, s9;
	s6 =	sadd.s32 @!p0 $0x88, s6;
	s7 =	simm.s32 @p2 $0x1082  }
0x22: {  	[simem:s7], [sflag:s8] =	dma.local @!p0 [hbm:s6], $0xF7A  }
0x23: {  	s9 =	sor.u32 $0xD0000000, s2;
	s6 =	simm.s32 $0x108;
	_ =	swait.ge @!p0 [sflag:s8], $0x0  }
0x24: {  	s3 =	sadd.s32 $0x88, s3;
	s6 =	simm.s32 @!p1 $0x1082;
	[sflag:s4] =	ssyncset.s32 $0xFFFFF086  }
0x25: {  	[simem:s6], [sflag:s4] =	dma.local [hbm:s3], $0xF7A  }
0x26: {  	[smem:$0x3F98] =	sst s1;
	(tag) =	ssettag s2;
	_ =	strace s9  }
0x27: {  	s1 =	sld [smem:$0x3FA8]  }
0x28: {  	s2 =	sld [smem:$0x3FA9]  }
0x29: {  	s4 =	sld [smem:$0x3FAB]  }
0x2a: {  	p0 =	seq.s32 s5, $0x0;
	s5 =	sld [smem:$0x3FAC]  }
0x2b: {  	s6 =	sld [smem:$0x3FAD]  }
0x2c: {  	s7 =	sld [smem:$0x3FAE]  }
0x2d: {  	s3 =	simm.s32 $0x108;
	s8 =	sld [smem:$0x3FAF]  }
0x2e: {  	s3 =	simm.s32 @!p0 $0x1082;
	s9 =	sld [smem:$0x3FB0]  }
0x2f: {  	lr =	sadd.s32 s0, s3;
	s0 =	sld [smem:$0x3FA7]  }
0x30: {  	s3 =	sld [smem:$0x3FAA]  }
0x31: {  	[smem:$0x3FB3] =	sst s10  }
0x32: {  	s10 =	sld [smem:$0x3FB1];
	_ =	sdelay $0x3  }
0x33: {  	p0 =	seq.s32 s10, $0x1;
	s10 =	sld [smem:$0x3FB3];
	_ =	sdelay $0x3  }
0x34: {  	[smem:$0x3FB3] =	sst s10  }
0x35: {  	s10 =	sld [smem:$0x3FB2];
	_ =	sdelay $0x3  }
0x36: {  	p1 =	seq.s32 s10, $0x1;
	s10 =	sld [smem:$0x3FB3];
	_ =	sdelay $0x3  }
0x37: {  	[smem:$0x3FB3] =	sst s10  }
0x38: {  	s10 =	sld [smem:$0x3FB4]  }
0x39: {  	_ = 	snop;
	(pc) =	sbr.ind lr, $3  }
0x3a: {  	_ = 	snop  }
0x3b: {  	_ = 	snop  }
0x3c: {  	p2 =	seq.s32 s10, $0x1;
	s10 =	sld [smem:$0x3FB3]  }
0x3d: {  	_ =	shalt  }
0x3e: {  	_ =	shalt  }
0x3f: {  	_ =	shalt  }
0x40: {  	_ =	shalt  }
0x41: {  	_ =	shalt  }
0x42: {  	_ =	shalt  }
0x43: {  	_ =	shalt  }
0x44: {  	_ =	shalt  }
0x45: {  	_ =	shalt  }
0x46: {  	_ =	shalt  }
0x47: {  	_ =	shalt  }
0x48: {  	_ =	shalt  }
0x49: {  	_ =	shalt  }
0x4a: {  	_ =	shalt  }
0x4b: {  	_ =	shalt  }
0x4c: {  	_ =	shalt  }
0x4d: {  	_ =	shalt  }
0x4e: {  	_ =	shalt  }
0x4f: {  	_ =	shalt  }
0x50: {  	_ =	shalt  }
0x51: {  	_ =	shalt  }
0x52: {  	_ =	shalt  }
0x53: {  	_ =	shalt  }
0x54: {  	_ =	shalt  }
0x55: {  	_ =	shalt  }
0x56: {  	_ =	shalt  }
0x57: {  	_ =	shalt  }
0x58: {  	_ =	shalt  }
0x59: {  	_ =	shalt  }
0x5a: {  	_ =	shalt  }
0x5b: {  	_ =	shalt  }
0x5c: {  	_ =	shalt  }
0x5d: {  	_ =	shalt  }
0x5e: {  	_ =	shalt  }
0x5f: {  	_ =	shalt  }
0x60: {  	_ =	shalt  }
0x61: {  	_ =	shalt  }
0x62: {  	_ =	shalt  }
0x63: {  	_ =	shalt  }
0x64: {  	_ =	shalt  }
0x65: {  	_ =	shalt  }
0x66: {  	_ =	shalt  }
0x67: {  	_ =	shalt  }
0x68: {  	_ =	shalt  }
0x69: {  	_ =	shalt  }
0x6a: {  	_ =	shalt  }
0x6b: {  	_ =	shalt  }
0x6c: {  	_ =	shalt  }
0x6d: {  	_ =	shalt  }
0x6e: {  	_ =	shalt  }
0x6f: {  	_ =	shalt  }
0x70: {  	_ =	shalt  }
0x71: {  	_ =	shalt  }
0x72: {  	_ =	shalt  }
0x73: {  	_ =	shalt  }
0x74: {  	_ =	shalt  }
0x75: {  	_ =	shalt  }
0x76: {  	_ =	shalt  }
0x77: {  	_ =	shalt  }
0x78: {  	_ =	shalt  }
0x79: {  	_ =	shalt  }
0x7a: {  	_ =	shalt  }
0x7b: {  	_ =	shalt  }
0x7c: {  	_ =	shalt  }
0x7d: {  	_ =	shalt  }
0x7e: {  	_ =	shalt  }
0x7f: {  	_ =	shalt  }
0x80: {  	_ =	shalt  }
0x81: {  	_ =	shalt  }
0x82: {  	_ =	shalt  }
0x83: {  	_ =	shalt  }
0x84: {  	_ =	shalt  }
0x85: {  	_ =	shalt  }
0x86: {  	_ =	shalt  }
0x87: {  	_ =	shalt  }
.Lfunc_end0:
.L_simem_size_0:
called_computation_lowered:
.L_overlay_start_0:
0x88: {  	s2 =	sld [smem:$0x3FD9]  }
0x89: {  	s3 =	sld [smem:$0x3FFE];
	_ =	sdelay $0x1  }
0x8a: {  	s1 =	srdreg.scid  }
0x8b: {  	s0 =	sand.u32 $0x1, s1  }
0x8c: {  	s17 =	sshll.u32 s0, $0xA;
	s2 =	sadd.s32 s3, s2  }
0x8d: {  	s2 =	sadd.s32 s2, s17  }
0x8e: {  	[smem:$0x3FBF] =	sst s2  }
0x8f: {  	_ = 	snop  }
0x90: {  	s2 =	sld [smem:$0x3FC9]  }
0x91: {  	s18 =	sld [smem:$0x3FD0];
	(tm) =	ssettm $0x1  }
0x92: {  	s4 =	sld [smem:$0x3FFB];
	_ =	sdelay $0x3  }
0x93: {  	_ =	strace s4  }
0x94: {  	s4 =	sld [smem:$0x3FFC];
	_ =	sdelay $0x3  }
0x95: {  	_ =	strace s4  }
0x96: {  	s4 =	sld [smem:$0x3FFD];
	_ =	sdelay $0x3  }
0x97: {  	_ =	strace s4  }
0x98: {  	_ =	strace $0x8FFFFFFF  }
0x99: {  	s19 =	sld [smem:$0x3FDB];
	_ =	sdelay $0x1  }
0x9a: {  	s5 =	simm.s32 $_scs_section_size  }
0x9b: {  	s6 =	simm.s32 $_size__tile_overlayer_lowered;
	s7 =	simm.s32 $_tile_overlayer_lowered  }
0x9c: {  	s22 =	simm.s32 $0x1BFF;
	s21 =	sshll.u32 s7, $0x1;
	s4 =	sadd.s32 s5, s19  }
0x9d: {  	s8 =	simm.s32 $0x0;
	s20 =	sshll.u32 s6, $0x1;
	s6 =	sadd.s32 s21, s4  }
0x9e: {  	[timem:s8], [sflag:s22] =	dma.local [hbm:s6], s20  }
0x9f: {  	_ =	swait.ge [sflag:s22], s20  }
0xa0: {  	s5 =	ssub.s32 $0x0, s20;
	[sflag:s22] =	ssyncset.done $0x0  }
0xa1: {  	[sflag:s22] =	ssyncadd.s32 s5;
	_ =	sdelay $0x1  }
0xa2: {  	s23 =	simm.s32 $0x1B8B  }
0xa3: {  	_ =	swait.ge [sflag:s23], $0x1  }
0xa4: {  	[sflag:s23] =	ssyncset.done $0x0  }
0xa5: {  	s25 =	simm.s32 $0x1B8E;
	s24 =	sld [smem:$0x3FFE];
	[sflag:s23] =	ssyncadd.s32 $0xFFFFFFFF  }
0xa6: {  	s26 =	simm.s32 $execute0_lowered;
	[smem:$0x3FD2] =	sst s25  }
0xa7: {  	s6 =	sshll.u32 s26, $0x1;
	_ =	strace $0x80000046;
	[dreg:$0x1] =	wrdreg $0xFFFFFFFF  }
0xa8: {  	s28 =	simm.s32 $_size_execute0_lowered;
	s4 =	sadd.s32 s4, s6;
	[dreg:$0x0] =	wrdreg $0x0  }
0xa9: {  	s6 =	sshll.u32 s28, $0x1;
	[dreg:$0x2] =	wrdreg s4  }
0xaa: {  	[dreg:$0x3] =	wrdreg s6  }
0xab: {  	[dreg:$0x4] =	wrdreg $0xC0  }
0xac: {  	_ =	task [dreg:s8], $0x5FFFF  }
0xad: {  	[dreg:$0x1] =	wrdreg $0xFFFFFFFF  }
0xae: {  	[dreg:$0x0] =	wrdreg $0x60  }
0xaf: {  	[dreg:$0x2] =	wrdreg s2  }
0xb0: {  	[dreg:$0x3] =	wrdreg s18  }
0xb1: {  	[dreg:$0x4] =	wrdreg s24  }
0xb2: {  	[dreg:$0x5] =	wrdreg $0x9  }
0xb3: {  	_ =	task.clear_ibuf [dreg:s8], $0x6FFFF;
	_ =	strace $0x90000046  }
0xb4: {  	s29 =	simm.s32 $0x9;
	_ =	strace $0x80000048  }
0xb5: {  	_ =	swait.ge [sflag:s29], $0x1  }
0xb6: {  	[sflag:s29] =	ssyncadd.s32 $0xFFFFFFFF  }
0xb7: {  	_ =	strace $0x90000048  }
0xb8: {  	_ =	sfence  }
0xb9: {  	s30 =	sld [smem:$0x0];
	_ =	sdelay $0x2  }
0xba: {  	s31 =	sshll.u32 s1, $0xD;
	s1 =	sshrl.u32 s1, $0x2  }
0xbb: {  	s3 =	sand.u32 $0x4000, s31;
	s1 =	sadd.s32 s1, s30  }
0xbc: {  	s0 =	sor.u32 s3, s0;
	s1 =	sshll.u32 s1, $0x11  }
0xbd: {  	s0 =	sor.u32 s1, s0  }
0xbe: {  	s0 =	sadd.s32 $0x8F2B, s0  }
0xbf: {  	[sflag:s0] =	ssyncadd.remote.s32 $0x1  }
0xc0: {  	_ =	sfence.sel $0xFFFF  }
0xc1: {  	[dreg:$0x0] =	wrdreg $0xFFFFFFFF;
	(pc) =	sbr.abs _section_cstart, $3  }
0xc2: {  	[dreg:$0x1] =	wrdreg $0xFFFFFFFF  }
0xc3: {  	_ =	task.clear_ibuf [dreg:s8], $0x2FFFF;
	_ =	strace $0x9FFFFFFF  }
0xc4: {  	(tm) =	ssettm $0x7FFFFFFF  }
0xc5: {  	_ =	shalt  }
tec
execute0_lowered:
.L_overlay_start_1:
0x0: {  	(tag) =	ssettag $0x1  }
0x1: {  	s7 =	rddreg [dreg:$0x0]  }
0x2: {  	s6 =	rddreg [dreg:$0x1]  }
0x3: {  	s3 =	rddreg [dreg:$0x2]  }
0x4: {  	s0 =	rddreg [dreg:$0x3];
	s2 =	simm.s32 $0x0;
	s4 =	srdreg.scid  }
0x5: {  	s1 =	stileid.u32;
	s11 =	simm.s32 $0x880;
	s12 =	simm.s32 $0x1080  }
0x6: {  	s13 =	simm.s32 $0x1880;
	s14 =	simm.s32 $0x2080;
	s15 =	simm.s32 $0x2880  }
0x7: {  	s16 =	simm.s32 $0x3080;
	s17 =	simm.s32 $0x3880;
	s18 =	simm.s32 $0x4080  }
0x8: {  	s19 =	simm.s32 $0x4880;
	s20 =	simm.s32 $0x5080;
	s21 =	simm.s32 $0x5880  }
0x9: {  	s22 =	simm.s32 $0x6080;
	s23 =	simm.s32 $0x6880;
	s24 =	simm.s32 $0x7080  }
0xa: {  	s25 =	simm.s32 $0x7880;
	s26 =	simm.s32 $0x1;
	s4 =	sand.u32 $0x1, s4  }
0xb: {  	[smem:$0x7FF] =	sst s2;
	s8 =	sshll.u32 s1, $0x9;
	s5 =	ssub.s32 $0x2, s4  }
0xc: {  	s3 =	sadd.s32 $0x2400, s3;
	s4 =	sshll.u32 s4, $0x8;
	s9 =	sshrl.u32 s5, $0x1  }
0xd: {  	_ =	strace $0x80000047;
	s8 =	sor.u32 s4, s8;
	s9 =	ssub.s32 s5, s9  }
0xe: {  	s4 =	sshrl.u32 s8, $0x3;
	s31 =	sshll.u32 s8, $0x5;
	s8 =	sor.u32 $0x80, s8  }
0xf: {  	v2 =	vlaneseq.u32;
	s4 =	sadd.s32 s6, s4;
	s10 =	sshrl.u32 s8, $0x3;
	s8 =	sshll.u32 s8, $0x5  }
0x10: {  	vm0 =	vmmov $0xffff;
	v1 =	vshrl.u32 v2, $0x3;
	s5 =	sadd.s32 s7, s31;
	s6 =	sadd.s32 s6, s10;
	s7 =	sadd.s32 s7, s8  }
0x11: {  	v0 =	vand.u32 $0x7, v2;
	v2 =	vor.u32 $0x8, v2;
	v1 =	vmul.u32 $0x8, v1;
	s8 =	smax.u32 s9, $0x1;
	s9 =	simm.s32 $0x2;
	s10 =	simm.s32 $0x80  }
.LBB2_1:
0x12: {  	[tilespmem:s2], [sflag:$0x2] =	stream.linear.gather [hbm4b:s4+s2], $0x80, $0x38;
	[tilespmem:$0x8080] =	vst v63  }
0x13: {  	_ =	swait.ge [sflag:s9], $0x80  }
0x14: {  	[sflag:s9] =	ssyncset.done $0x0  }
0x15: {  	[sflag:s9] =	ssyncadd.s32 $0xFFFFFF80  }
0x16: {  	[tilespmem:s10], [sflag:$0x2] =	stream.linear.gather [hbm4b:s5+s2], $0x8000, $0x38;
	[tilespmem:$0x8080] =	vst v63  }
0x17: {  	_ =	swait.ge [sflag:s9], $0x8000  }
0x18: {  	[sflag:s9] =	ssyncset.done $0x0  }
0x19: {  	[sflag:s9] =	ssyncadd.s32 $0xFFFF8000  }
0x1a: {  	v3 =	vld [tilespmem:$0x0];
	_ =	sdelay $0x4  }
0x1b: {  	v4 =	vshll.u32 v3, $0x1  }
0x1c: {  	v3 =	vand.u32 $0x7, v3;
	v4 =	vand.u32 $0xFFFFFFF0, v4  }
0x1d: {  	v3 =	vor.u32 v3, v4  }
0x1e: {  	v4 =	vperm.xlane v3, v0;
	_ =	sdelay $0x1  }
0x1f: {  	v3 =	vperm.xlane v3, v2;
	v4 =	vadd.s32 v1, v4;
	_ =	sdelay $0x1  }
0x20: {  	v3 =	vadd.s32 v1, v3;
	_ =	sdelay $0x2  }
0x21: {  	[hbm4b:s3+s2] =	stream.indirect_vreg.scatter [tilespmem:s10], [sflag:$0x1], $0x80, v4, vm0, $0xb8;
	[tilespmem:$0x8080] =	vst v63  }
0x22: {  	_ = 	snop  }
0x23: {  	[hbm4b:s3+s2] =	stream.indirect_vreg.scatter [tilespmem:s11], [sflag:$0x1], $0x80, v3, vm0, $0xb8;
	[tilespmem:$0x8080] =	vst v63  }
0x24: {  	v3 =	vld [tilespmem:$0x10];
	_ =	sdelay $0x4  }
0x25: {  	v49 =	vshll.u32 v3, $0x1  }
0x26: {  	v3 =	vand.u32 $0x7, v3;
	v4 =	vand.u32 $0xFFFFFFF0, v49  }
0x27: {  	v3 =	vor.u32 v3, v4  }
0x28: {  	v4 =	vperm.xlane v3, v0;
	_ =	sdelay $0x1  }
0x29: {  	v3 =	vperm.xlane v3, v2;
	v4 =	vadd.s32 v1, v4;
	_ =	sdelay $0x1  }
0x2a: {  	v3 =	vadd.s32 v1, v3;
	_ =	sdelay $0x2  }
0x2b: {  	[hbm4b:s3+s2] =	stream.indirect_vreg.scatter [tilespmem:s12], [sflag:$0x1], $0x80, v4, vm0, $0xb8;
	[tilespmem:$0x8080] =	vst v63  }
0x2c: {  	_ = 	snop  }
0x2d: {  	[hbm4b:s3+s2] =	stream.indirect_vreg.scatter [tilespmem:s13], [sflag:$0x1], $0x80, v3, vm0, $0xb8;
	[tilespmem:$0x8080] =	vst v63  }
0x2e: {  	v3 =	vld [tilespmem:$0x20];
	_ =	sdelay $0x4  }
0x2f: {  	v50 =	vshll.u32 v3, $0x1  }
0x30: {  	v3 =	vand.u32 $0x7, v3;
	v4 =	vand.u32 $0xFFFFFFF0, v50  }
0x31: {  	v3 =	vor.u32 v3, v4  }
0x32: {  	v4 =	vperm.xlane v3, v0;
	_ =	sdelay $0x1  }
0x33: {  	v3 =	vperm.xlane v3, v2;
	v4 =	vadd.s32 v1, v4;
	_ =	sdelay $0x1  }
0x34: {  	v3 =	vadd.s32 v1, v3;
	_ =	sdelay $0x2  }
0x35: {  	[hbm4b:s3+s2] =	stream.indirect_vreg.scatter [tilespmem:s14], [sflag:$0x1], $0x80, v4, vm0, $0xb8;
	[tilespmem:$0x8080] =	vst v63  }
0x36: {  	_ = 	snop  }
0x37: {  	[hbm4b:s3+s2] =	stream.indirect_vreg.scatter [tilespmem:s15], [sflag:$0x1], $0x80, v3, vm0, $0xb8;
	[tilespmem:$0x8080] =	vst v63  }
0x38: {  	v3 =	vld [tilespmem:$0x30];
	_ =	sdelay $0x4  }
0x39: {  	v51 =	vshll.u32 v3, $0x1  }
0x3a: {  	v3 =	vand.u32 $0x7, v3;
	v4 =	vand.u32 $0xFFFFFFF0, v51  }
0x3b: {  	v3 =	vor.u32 v3, v4  }
0x3c: {  	v4 =	vperm.xlane v3, v0;
	_ =	sdelay $0x1  }
0x3d: {  	v3 =	vperm.xlane v3, v2;
	v4 =	vadd.s32 v1, v4;
	_ =	sdelay $0x1  }
0x3e: {  	v3 =	vadd.s32 v1, v3;
	_ =	sdelay $0x2  }
0x3f: {  	[hbm4b:s3+s2] =	stream.indirect_vreg.scatter [tilespmem:s16], [sflag:$0x1], $0x80, v4, vm0, $0xb8;
	[tilespmem:$0x8080] =	vst v63  }
0x40: {  	_ = 	snop  }
0x41: {  	[hbm4b:s3+s2] =	stream.indirect_vreg.scatter [tilespmem:s17], [sflag:$0x1], $0x80, v3, vm0, $0xb8;
	[tilespmem:$0x8080] =	vst v63  }
0x42: {  	v3 =	vld [tilespmem:$0x40];
	_ =	sdelay $0x4  }
0x43: {  	v52 =	vshll.u32 v3, $0x1  }
0x44: {  	v3 =	vand.u32 $0x7, v3;
	v4 =	vand.u32 $0xFFFFFFF0, v52  }
0x45: {  	v3 =	vor.u32 v3, v4  }
0x46: {  	v4 =	vperm.xlane v3, v0;
	_ =	sdelay $0x1  }
0x47: {  	v3 =	vperm.xlane v3, v2;
	v4 =	vadd.s32 v1, v4;
	_ =	sdelay $0x1  }
0x48: {  	v3 =	vadd.s32 v1, v3;
	_ =	sdelay $0x2  }
0x49: {  	[hbm4b:s3+s2] =	stream.indirect_vreg.scatter [tilespmem:s18], [sflag:$0x1], $0x80, v4, vm0, $0xb8;
	[tilespmem:$0x8080] =	vst v63  }
0x4a: {  	_ = 	snop  }
0x4b: {  	[hbm4b:s3+s2] =	stream.indirect_vreg.scatter [tilespmem:s19], [sflag:$0x1], $0x80, v3, vm0, $0xb8;
	[tilespmem:$0x8080] =	vst v63  }
0x4c: {  	v3 =	vld [tilespmem:$0x50];
	_ =	sdelay $0x4  }
0x4d: {  	v53 =	vshll.u32 v3, $0x1  }
0x4e: {  	v3 =	vand.u32 $0x7, v3;
	v4 =	vand.u32 $0xFFFFFFF0, v53  }
0x4f: {  	v3 =	vor.u32 v3, v4  }
0x50: {  	v4 =	vperm.xlane v3, v0;
	_ =	sdelay $0x1  }
0x51: {  	v3 =	vperm.xlane v3, v2;
	v4 =	vadd.s32 v1, v4;
	_ =	sdelay $0x1  }
0x52: {  	v3 =	vadd.s32 v1, v3;
	_ =	sdelay $0x2  }
0x53: {  	[hbm4b:s3+s2] =	stream.indirect_vreg.scatter [tilespmem:s20], [sflag:$0x1], $0x80, v4, vm0, $0xb8;
	[tilespmem:$0x8080] =	vst v63  }
0x54: {  	_ = 	snop  }
0x55: {  	[hbm4b:s3+s2] =	stream.indirect_vreg.scatter [tilespmem:s21], [sflag:$0x1], $0x80, v3, vm0, $0xb8;
	[tilespmem:$0x8080] =	vst v63  }
0x56: {  	v3 =	vld [tilespmem:$0x60];
	_ =	sdelay $0x4  }
0x57: {  	v54 =	vshll.u32 v3, $0x1  }
0x58: {  	v3 =	vand.u32 $0x7, v3;
	v4 =	vand.u32 $0xFFFFFFF0, v54  }
0x59: {  	v3 =	vor.u32 v3, v4  }
0x5a: {  	v4 =	vperm.xlane v3, v0;
	_ =	sdelay $0x1  }
0x5b: {  	v3 =	vperm.xlane v3, v2;
	v4 =	vadd.s32 v1, v4;
	_ =	sdelay $0x1  }
0x5c: {  	v3 =	vadd.s32 v1, v3;
	_ =	sdelay $0x2  }
0x5d: {  	[hbm4b:s3+s2] =	stream.indirect_vreg.scatter [tilespmem:s22], [sflag:$0x1], $0x80, v4, vm0, $0xb8;
	[tilespmem:$0x8080] =	vst v63  }
0x5e: {  	_ = 	snop  }
0x5f: {  	[hbm4b:s3+s2] =	stream.indirect_vreg.scatter [tilespmem:s23], [sflag:$0x1], $0x80, v3, vm0, $0xb8;
	[tilespmem:$0x8080] =	vst v63  }
0x60: {  	v3 =	vld [tilespmem:$0x70];
	_ =	sdelay $0x4  }
0x61: {  	v55 =	vshll.u32 v3, $0x1  }
0x62: {  	v3 =	vand.u32 $0x7, v3;
	v4 =	vand.u32 $0xFFFFFFF0, v55  }
0x63: {  	v3 =	vor.u32 v3, v4  }
0x64: {  	v4 =	vperm.xlane v3, v0;
	_ =	sdelay $0x1  }
0x65: {  	v3 =	vperm.xlane v3, v2;
	v4 =	vadd.s32 v1, v4;
	_ =	sdelay $0x1  }
0x66: {  	v3 =	vadd.s32 v1, v3;
	_ =	sdelay $0x2  }
0x67: {  	[hbm4b:s3+s2] =	stream.indirect_vreg.scatter [tilespmem:s24], [sflag:$0x1], $0x80, v4, vm0, $0xb8;
	[tilespmem:$0x8080] =	vst v63  }
0x68: {  	_ = 	snop  }
0x69: {  	[hbm4b:s3+s2] =	stream.indirect_vreg.scatter [tilespmem:s25], [sflag:$0x1], $0x80, v3, vm0, $0xb8;
	[tilespmem:$0x8080] =	vst v63  }
0x6a: {  	_ =	swait.ge [sflag:s26], $0x8000  }
0x6b: {  	[sflag:s26] =	ssyncset.done $0x0  }
0x6c: {  	[sflag:s26] =	ssyncadd.s32 $0xFFFF8000  }
0x6d: {  	[tilespmem:s2], [sflag:$0x2] =	stream.linear.gather [hbm4b:s6+s2], $0x80, $0x38;
	[tilespmem:$0x8080] =	vst v63  }
0x6e: {  	_ =	swait.ge [sflag:s9], $0x80  }
0x6f: {  	[sflag:s9] =	ssyncset.done $0x0  }
0x70: {  	[sflag:s9] =	ssyncadd.s32 $0xFFFFFF80  }
0x71: {  	[tilespmem:s10], [sflag:$0x2] =	stream.linear.gather [hbm4b:s7+s2], $0x8000, $0x38;
	[tilespmem:$0x8080] =	vst v63  }
0x72: {  	_ =	swait.ge [sflag:s9], $0x8000  }
0x73: {  	[sflag:s9] =	ssyncset.done $0x0  }
0x74: {  	[sflag:s9] =	ssyncadd.s32 $0xFFFF8000  }
0x75: {  	v3 =	vld [tilespmem:$0x0];
	_ =	sdelay $0x4  }
0x76: {  	v56 =	vshll.u32 v3, $0x1  }
0x77: {  	v3 =	vand.u32 $0x7, v3;
	v4 =	vand.u32 $0xFFFFFFF0, v56  }
0x78: {  	v3 =	vor.u32 v3, v4  }
0x79: {  	v4 =	vperm.xlane v3, v0;
	_ =	sdelay $0x1  }
0x7a: {  	v3 =	vperm.xlane v3, v2;
	v4 =	vadd.s32 v1, v4;
	_ =	sdelay $0x1  }
0x7b: {  	v3 =	vadd.s32 v1, v3;
	_ =	sdelay $0x2  }
0x7c: {  	[hbm4b:s3+s2] =	stream.indirect_vreg.scatter [tilespmem:s10], [sflag:$0x1], $0x80, v4, vm0, $0xb8;
	[tilespmem:$0x8080] =	vst v63  }
0x7d: {  	_ = 	snop  }
0x7e: {  	[hbm4b:s3+s2] =	stream.indirect_vreg.scatter [tilespmem:s11], [sflag:$0x1], $0x80, v3, vm0, $0xb8;
	[tilespmem:$0x8080] =	vst v63  }
0x7f: {  	v3 =	vld [tilespmem:$0x10];
	_ =	sdelay $0x4  }
0x80: {  	v57 =	vshll.u32 v3, $0x1  }
0x81: {  	v3 =	vand.u32 $0x7, v3;
	v4 =	vand.u32 $0xFFFFFFF0, v57  }
0x82: {  	v3 =	vor.u32 v3, v4  }
0x83: {  	v4 =	vperm.xlane v3, v0;
	_ =	sdelay $0x1  }
0x84: {  	v3 =	vperm.xlane v3, v2;
	v4 =	vadd.s32 v1, v4;
	_ =	sdelay $0x1  }
0x85: {  	v3 =	vadd.s32 v1, v3;
	_ =	sdelay $0x2  }
0x86: {  	[hbm4b:s3+s2] =	stream.indirect_vreg.scatter [tilespmem:s12], [sflag:$0x1], $0x80, v4, vm0, $0xb8;
	[tilespmem:$0x8080] =	vst v63  }
0x87: {  	_ = 	snop  }
0x88: {  	[hbm4b:s3+s2] =	stream.indirect_vreg.scatter [tilespmem:s13], [sflag:$0x1], $0x80, v3, vm0, $0xb8;
	[tilespmem:$0x8080] =	vst v63  }
0x89: {  	v3 =	vld [tilespmem:$0x20];
	_ =	sdelay $0x4  }
0x8a: {  	v58 =	vshll.u32 v3, $0x1  }
0x8b: {  	v3 =	vand.u32 $0x7, v3;
	v4 =	vand.u32 $0xFFFFFFF0, v58  }
0x8c: {  	v3 =	vor.u32 v3, v4  }
0x8d: {  	v4 =	vperm.xlane v3, v0;
	_ =	sdelay $0x1  }
0x8e: {  	v3 =	vperm.xlane v3, v2;
	v4 =	vadd.s32 v1, v4;
	_ =	sdelay $0x1  }
0x8f: {  	v3 =	vadd.s32 v1, v3;
	_ =	sdelay $0x2  }
0x90: {  	[hbm4b:s3+s2] =	stream.indirect_vreg.scatter [tilespmem:s14], [sflag:$0x1], $0x80, v4, vm0, $0xb8;
	[tilespmem:$0x8080] =	vst v63  }
0x91: {  	_ = 	snop  }
0x92: {  	[hbm4b:s3+s2] =	stream.indirect_vreg.scatter [tilespmem:s15], [sflag:$0x1], $0x80, v3, vm0, $0xb8;
	[tilespmem:$0x8080] =	vst v63  }
0x93: {  	v3 =	vld [tilespmem:$0x30];
	_ =	sdelay $0x4  }
0x94: {  	v59 =	vshll.u32 v3, $0x1  }
0x95: {  	v3 =	vand.u32 $0x7, v3;
	v4 =	vand.u32 $0xFFFFFFF0, v59  }
0x96: {  	v3 =	vor.u32 v3, v4  }
0x97: {  	v4 =	vperm.xlane v3, v0;
	_ =	sdelay $0x1  }
0x98: {  	v3 =	vperm.xlane v3, v2;
	v4 =	vadd.s32 v1, v4;
	_ =	sdelay $0x1  }
0x99: {  	v3 =	vadd.s32 v1, v3;
	_ =	sdelay $0x2  }
0x9a: {  	[hbm4b:s3+s2] =	stream.indirect_vreg.scatter [tilespmem:s16], [sflag:$0x1], $0x80, v4, vm0, $0xb8;
	[tilespmem:$0x8080] =	vst v63  }
0x9b: {  	_ = 	snop  }
0x9c: {  	[hbm4b:s3+s2] =	stream.indirect_vreg.scatter [tilespmem:s17], [sflag:$0x1], $0x80, v3, vm0, $0xb8;
	[tilespmem:$0x8080] =	vst v63  }
0x9d: {  	v3 =	vld [tilespmem:$0x40];
	_ =	sdelay $0x4  }
0x9e: {  	v60 =	vshll.u32 v3, $0x1  }
0x9f: {  	v3 =	vand.u32 $0x7, v3;
	v4 =	vand.u32 $0xFFFFFFF0, v60  }
0xa0: {  	v3 =	vor.u32 v3, v4  }
0xa1: {  	v4 =	vperm.xlane v3, v0;
	_ =	sdelay $0x1  }
0xa2: {  	v3 =	vperm.xlane v3, v2;
	v4 =	vadd.s32 v1, v4;
	_ =	sdelay $0x1  }
0xa3: {  	v3 =	vadd.s32 v1, v3;
	_ =	sdelay $0x2  }
0xa4: {  	[hbm4b:s3+s2] =	stream.indirect_vreg.scatter [tilespmem:s18], [sflag:$0x1], $0x80, v4, vm0, $0xb8;
	[tilespmem:$0x8080] =	vst v63  }
0xa5: {  	_ = 	snop  }
0xa6: {  	[hbm4b:s3+s2] =	stream.indirect_vreg.scatter [tilespmem:s19], [sflag:$0x1], $0x80, v3, vm0, $0xb8;
	[tilespmem:$0x8080] =	vst v63  }
0xa7: {  	v3 =	vld [tilespmem:$0x50];
	_ =	sdelay $0x4  }
0xa8: {  	v61 =	vshll.u32 v3, $0x1  }
0xa9: {  	v3 =	vand.u32 $0x7, v3;
	v4 =	vand.u32 $0xFFFFFFF0, v61  }
0xaa: {  	v3 =	vor.u32 v3, v4  }
0xab: {  	v4 =	vperm.xlane v3, v0;
	_ =	sdelay $0x1  }
0xac: {  	v3 =	vperm.xlane v3, v2;
	v4 =	vadd.s32 v1, v4;
	_ =	sdelay $0x1  }
0xad: {  	v3 =	vadd.s32 v1, v3;
	_ =	sdelay $0x2  }
0xae: {  	[hbm4b:s3+s2] =	stream.indirect_vreg.scatter [tilespmem:s20], [sflag:$0x1], $0x80, v4, vm0, $0xb8;
	[tilespmem:$0x8080] =	vst v63  }
0xaf: {  	_ = 	snop  }
0xb0: {  	[hbm4b:s3+s2] =	stream.indirect_vreg.scatter [tilespmem:s21], [sflag:$0x1], $0x80, v3, vm0, $0xb8;
	[tilespmem:$0x8080] =	vst v63  }
0xb1: {  	v3 =	vld [tilespmem:$0x60];
	_ =	sdelay $0x4  }
0xb2: {  	v62 =	vshll.u32 v3, $0x1  }
0xb3: {  	v3 =	vand.u32 $0x7, v3;
	v4 =	vand.u32 $0xFFFFFFF0, v62  }
0xb4: {  	v3 =	vor.u32 v3, v4  }
0xb5: {  	v4 =	vperm.xlane v3, v0;
	_ =	sdelay $0x1  }
0xb6: {  	v3 =	vperm.xlane v3, v2;
	v4 =	vadd.s32 v1, v4;
	_ =	sdelay $0x1  }
0xb7: {  	v3 =	vadd.s32 v1, v3;
	_ =	sdelay $0x2  }
0xb8: {  	[hbm4b:s3+s2] =	stream.indirect_vreg.scatter [tilespmem:s22], [sflag:$0x1], $0x80, v4, vm0, $0xb8;
	[tilespmem:$0x8080] =	vst v63  }
0xb9: {  	_ = 	snop  }
0xba: {  	[hbm4b:s3+s2] =	stream.indirect_vreg.scatter [tilespmem:s23], [sflag:$0x1], $0x80, v3, vm0, $0xb8;
	[tilespmem:$0x8080] =	vst v63  }
0xbb: {  	v3 =	vld [tilespmem:$0x70];
	_ =	sdelay $0x4  }
0xbc: {  	v63 =	vshll.u32 v3, $0x1  }
0xbd: {  	v3 =	vand.u32 $0x7, v3;
	v4 =	vand.u32 $0xFFFFFFF0, v63  }
0xbe: {  	v3 =	vor.u32 v3, v4  }
0xbf: {  	v4 =	vperm.xlane v3, v0;
	_ =	sdelay $0x1  }
0xc0: {  	v3 =	vperm.xlane v3, v2;
	v4 =	vadd.s32 v1, v4;
	_ =	sdelay $0x1  }
0xc1: {  	v3 =	vadd.s32 v1, v3;
	_ =	sdelay $0x1  }
0xc2: {  	p0 =	sne.s32 s8, $0x1  }
0xc3: {  	[hbm4b:s3+s2] =	stream.indirect_vreg.scatter [tilespmem:s24], [sflag:$0x1], $0x80, v4, vm0, $0xb8;
	[tilespmem:$0x8080] =	vst v63  }
.Ltmp0:
0xc4: {  	_ = 	snop;
	(pc) =	sbr.rel @p0 .LBB2_1-.Ltmp0, $4  }
0xc5: {  	[hbm4b:s3+s2] =	stream.indirect_vreg.scatter [tilespmem:s25], [sflag:$0x1], $0x80, v3, vm0, $0xb8;
	[tilespmem:$0x8080] =	vst v63  }
0xc6: {  	_ =	swait.ge [sflag:s26], $0x8000  }
0xc7: {  	[sflag:s26] =	ssyncset.done $0x0  }
0xc8: {  	s8 =	sadd.s32 $0xFFFFFFFF, s8;
	[sflag:s26] =	ssyncadd.s32 $0xFFFF8000  }
0xc9: {  	_ =	sfence.sel $0x180000  }
0xca: {  	[bflag:$0x0] =	sbarrier.arrive $0xFFFF  }
0xcb: {  	p0 =	sne.s32 s1, $0x0;
	_ =	strace $0x90000047  }
0xcc: {  	s0 =	sadd.s32 @!p0 $0x100000, s0;
	[bflag:$0x2] =	sbarrier.arrive $0xFFFF  }
0xcd: {  	[sflag:s0] =	ssyncadd.tile.s32 @!p0 $0x1;
	_ =	shalt  }
.Lfunc_end2:
_tile_overlayer_lowered:
.L_overlay_start_2:
0xce: {  	(tag) =	ssettag $0x2  }
0xcf: {  	s0 =	rddreg [dreg:$0x0];
	s2 =	stileid.u32  }
0xd0: {  	s1 =	rddreg [dreg:$0x1];
	p0 =	sne.s32 s2, $0x0  }
0xd1: {  	s3 =	rddreg [dreg:$0x2];
	[bflag:$0x3] =	sbarrier.arrive $0xFFFF;
	s2 =	simm.s32 @!p0 $0x1C02  }
0xd2: {  	[timem:s3], [sflag:s2] =	dma.local @!p0 [hbm:s0], s1  }
0xd3: {  	s0 =	simm.s32 @!p0 $0x2  }
0xd4: {  	_ =	swait.ge @!p0 [sflag:s0], s1  }
0xd5: {  	s1 =	ssub.s32 @!p0 $0x0, s1;
	[sflag:s0] =	ssyncset.done @!p0 $0x0  }
0xd6: {  	[sflag:s0] =	ssyncadd.s32 @!p0 s1  }
0xd7: {  	[bflag:$0x3] =	sbarrier.arrive $0xFFFF  }
0xd8: {  	_ =	shalt  }

</sc_bundles>
